<compile_context>
chip_gen: v7x
topology: tpu7x:2x2x1
jax: 0.10.2.dev20260603
libtpu: 0.0.44.dev20260713+nightly
codegen_flags: <defaults>
</compile_context>

<pallas_src>
import functools

import jax
import jax.numpy as jnp
from jax import lax
from jax.experimental import pallas as pl
from jax.experimental.pallas import tpu as pltpu
from jax.experimental.pallas import tpu_sc as plsc

_EPS = 1e-12
_L = 16


def _rsqrt_vec(v):
    i = lax.bitcast_convert_type(v, jnp.int32)
    i = jnp.int32(0x5F3759DF) - lax.shift_right_arithmetic(i, 1)
    y = lax.bitcast_convert_type(i, jnp.float32)
    half_v = 0.5 * v
    for _ in range(3):
        y = y * (1.5 - half_v * y * y)
    return y


_GDN = lax.GatherDimensionNumbers(
    offset_dims=(), collapsed_slice_dims=(0,), start_index_map=(0,))


def _lane_perm(v, perm):
    return lax.gather(v, perm[:, None], _GDN, (1,),
                      mode=lax.GatherScatterMode.PROMISE_IN_BOUNDS)


def _lane_sum(v):
    for sh in (8, 4, 2, 1):
        perm = lax.iota(jnp.int32, _L) ^ sh
        v = v + _lane_perm(v, perm)
    return v


def _tree_add(vs):
    while len(vs) > 1:
        vs = [vs[i] + vs[i + 1] for i in range(0, len(vs) - 1, 2)] + (
            [vs[-1]] if len(vs) % 2 else []
        )
    return vs[0]


@functools.partial(jax.jit, static_argnums=())
def _run(x, table, bias, gamma, beta):
    B, S = x.shape
    V, D = table.shape
    nd = D // _L
    NC, NS = 2, 16
    NW = NC * NS
    rows_per_w = B // NW
    half = 104

    mesh = plsc.VectorSubcoreMesh(core_axis_name="c", subcore_axis_name="s")

    @functools.partial(
        pl.kernel,
        out_type=jax.ShapeDtypeStruct((B, S, D), jnp.float32),
        mesh=mesh,
        scratch_types=[
            pltpu.VMEM((S,), jnp.int32),
            pltpu.VMEM((S, D), jnp.float32),
            pltpu.VMEM((S, D), jnp.float32),
            pltpu.VMEM((D,), jnp.float32),
            pltpu.VMEM((D,), jnp.float32),
            pltpu.SemaphoreType.DMA,
        ],
    )
    def k(x_hbm, table_hbm, bias_hbm, gamma_hbm, beta_hbm, out_hbm,
          idx_v, buf, bias_v, gam_v, bet_v, sem):
        wid = lax.axis_index("s") * NC + lax.axis_index("c")

        pltpu.sync_copy(bias_hbm, bias_v)
        pltpu.sync_copy(gamma_hbm, gam_v)
        pltpu.sync_copy(beta_hbm, bet_v)
        gvs = [gam_v[pl.ds(_L * k, _L)] for k in range(nd)]
        bvs = [bet_v[pl.ds(_L * k, _L)] for k in range(nd)]
        inv_d = jnp.float32(1.0 / D)

        def row_loop(r, _):
            br = wid * rows_per_w + r
            pltpu.sync_copy(x_hbm.at[br], idx_v)
            cp0 = pltpu.async_copy(
                table_hbm.at[idx_v.at[pl.ds(0, half)]],
                buf.at[pl.ds(0, half)], sem)
            cp1 = pltpu.async_copy(
                table_hbm.at[idx_v.at[pl.ds(half, S - half)]],
                buf.at[pl.ds(half, S - half)], sem)
            cp0.wait()
            cp1.wait()

            def ln_body(j, _):
                vs = [buf[j, pl.ds(_L * k, _L)] + bias_v[j, pl.ds(_L * k, _L)]
                      for k in range(nd)]
                tot = _lane_sum(_tree_add(vs))
                totq = _lane_sum(_tree_add([v * v for v in vs]))
                mean = tot * inv_d
                var = totq * inv_d - mean * mean + jnp.float32(_EPS)
                rs = _rsqrt_vec(var)
                for k in range(nd):
                    buf[j, pl.ds(_L * k, _L)] = (
                        (vs[k] - mean) * rs * gvs[k] + bvs[k])
                return 0

            lax.fori_loop(0, S, ln_body, 0)
            pltpu.sync_copy(buf, out_hbm.at[br])
            return 0

        lax.fori_loop(0, rows_per_w, row_loop, 0)

    return k(x, table, bias, gamma, beta)


def kernel(x, W_word, W_pos, W_type, gamma, beta):
    S = x.shape[1]
    bias = W_pos[:S] + W_type[0][None, :]
    return _run(x, W_word, bias, gamma, beta)

# --- scband reference (transcript-rebuilt; emitter-appended) ---
"""Pipeline reference for scband-bert-embeddings-74835510166027 (READ-ONLY COPY).

The authoritative reference and input builder live on the scoring server;
editing this copy changes nothing except your own understanding.
"""

import jax, jax.numpy as jnp
import numpy as np

VOCAB = 100000
HIDDEN = 128
MAX_POS = 512
TYPE_VOCAB = 2
EPS = 1e-12
B, S = 1024, 200


def setup_inputs(seed: int = 0) -> dict:
    key = jax.random.key(seed)
    ks = jax.random.split(key, 6)
    x = jax.random.randint(ks[0], (B, S), 0, VOCAB, dtype=jnp.int32)
    W_word = jax.random.normal(ks[1], (VOCAB, HIDDEN), dtype=jnp.float32) * 0.02
    # padding_idx=0 row zeroed, matching nn.Embedding(padding_idx=0) init
    W_word = W_word.at[0].set(0.0)
    W_pos = jax.random.normal(ks[2], (MAX_POS, HIDDEN), dtype=jnp.float32) * 0.02
    W_type = jax.random.normal(ks[3], (TYPE_VOCAB, HIDDEN), dtype=jnp.float32) * 0.02
    gamma = jnp.ones((HIDDEN,), dtype=jnp.float32)
    beta = jnp.zeros((HIDDEN,), dtype=jnp.float32)
    return {"x": x, "W_word": W_word, "W_pos": W_pos, "W_type": W_type, "gamma": gamma, "beta": beta}


def reference(x, W_word, W_pos, W_type, gamma, beta):
    b, s = x.shape
    # position_ids default: arange(seq_len) broadcast to [B, S]
    position_ids = jnp.broadcast_to(jnp.arange(s, dtype=jnp.int32)[None, :], (b, s))
    # token_type_ids default: zeros_like(x)
    token_type_ids = jnp.zeros_like(x)
    word_embedding = jnp.take(W_word, x, axis=0)
    pos_embedding = jnp.take(W_pos, position_ids, axis=0)
    token_type_embedding = jnp.take(W_type, token_type_ids, axis=0)
    embeddings = word_embedding + pos_embedding + token_type_embedding
    # LayerNorm (eval mode; dropout is identity)
    mean = jnp.mean(embeddings, axis=-1, keepdims=True)
    var = jnp.mean(jnp.square(embeddings - mean), axis=-1, keepdims=True)
    normed = (embeddings - mean) / jnp.sqrt(var + EPS)
    return normed * gamma + beta

if __name__ == "__main__":
    import jax
    _d = setup_inputs()
    print(jax.jit(kernel)(*tuple(_d.values())))

</pallas_src>

<mosaic_0001>
#map = affine_map<(d0, d1) -> (0, 0)>
#map1 = affine_map<(d0, d1) -> (0)>
#map2 = affine_map<(d0, d1) -> (0, 0, 0)>
module attributes {stable_mosaic.version = 14 : i64} {
  func.func @k(%arg0: i32, %arg1: i32, %arg2: memref<1024x200xi32, #tpu.memory_space<hbm>>, %arg3: memref<100000x128xf32, #tpu.memory_space<hbm>>, %arg4: memref<200x128xf32, #tpu.memory_space<hbm>>, %arg5: memref<128xf32, #tpu.memory_space<hbm>>, %arg6: memref<128xf32, #tpu.memory_space<hbm>>, %arg7: memref<1024x200x128xf32, #tpu.memory_space<hbm>>, %arg8: memref<200xi32, #tpu.memory_space<vmem>>, %arg9: memref<200x128xf32, #tpu.memory_space<vmem>>, %arg10: memref<200x128xf32, #tpu.memory_space<vmem>>, %arg11: memref<128xf32, #tpu.memory_space<vmem>>, %arg12: memref<128xf32, #tpu.memory_space<vmem>>, %arg13: memref<!tpu.dma_semaphore, #tpu.memory_space<semaphore_mem>>) attributes {dimension_semantics = [#tpu.dimension_semantics<core_parallel>, #tpu.dimension_semantics<subcore_parallel>], iteration_bounds = array<i64: 2, 16>, scalar_prefetch = 0 : i64, scratch_operands = 6 : i64, tpu.core_type = #tpu.core_type<sc_vector_subcore>, window_params = [{transform_indices = #map}, {transform_indices = #map}, {transform_indices = #map}, {transform_indices = #map1}, {transform_indices = #map1}, {transform_indices = #map2}]} {
    %mul3A = arith.constant 2 : i32
    %mul3A_0 = arith.muli %arg1, %mul3A : i32
    %add3A = arith.addi %mul3A_0, %arg0 : i32
    "tpu.region"() ({
      %run_scoped3A = tpu.sem_alloc : memref<!tpu.dma_semaphore, #tpu.memory_space<semaphore_mem>>
      tpu.enqueue_dma source(%arg4 : memref<200x128xf32, #tpu.memory_space<hbm>>) target(%arg10 : memref<200x128xf32, #tpu.memory_space<vmem>>) target_semaphore(%run_scoped3A : memref<!tpu.dma_semaphore, #tpu.memory_space<semaphore_mem>>)
      tpu.wait_dma2 semaphore(%run_scoped3A : memref<!tpu.dma_semaphore, #tpu.memory_space<semaphore_mem>>) src(%arg4 : memref<200x128xf32, #tpu.memory_space<hbm>>) dst(%arg10 : memref<200x128xf32, #tpu.memory_space<vmem>>)
      tpu.yield
    }) : () -> ()
    "tpu.region"() ({
      %run_scoped3A = tpu.sem_alloc : memref<!tpu.dma_semaphore, #tpu.memory_space<semaphore_mem>>
      tpu.enqueue_dma source(%arg5 : memref<128xf32, #tpu.memory_space<hbm>>) target(%arg11 : memref<128xf32, #tpu.memory_space<vmem>>) target_semaphore(%run_scoped3A : memref<!tpu.dma_semaphore, #tpu.memory_space<semaphore_mem>>)
      tpu.wait_dma2 semaphore(%run_scoped3A : memref<!tpu.dma_semaphore, #tpu.memory_space<semaphore_mem>>) src(%arg5 : memref<128xf32, #tpu.memory_space<hbm>>) dst(%arg11 : memref<128xf32, #tpu.memory_space<vmem>>)
      tpu.yield
    }) : () -> ()
    "tpu.region"() ({
      %run_scoped3A = tpu.sem_alloc : memref<!tpu.dma_semaphore, #tpu.memory_space<semaphore_mem>>
      tpu.enqueue_dma source(%arg6 : memref<128xf32, #tpu.memory_space<hbm>>) target(%arg12 : memref<128xf32, #tpu.memory_space<vmem>>) target_semaphore(%run_scoped3A : memref<!tpu.dma_semaphore, #tpu.memory_space<semaphore_mem>>)
      tpu.wait_dma2 semaphore(%run_scoped3A : memref<!tpu.dma_semaphore, #tpu.memory_space<semaphore_mem>>) src(%arg6 : memref<128xf32, #tpu.memory_space<hbm>>) dst(%arg12 : memref<128xf32, #tpu.memory_space<vmem>>)
      tpu.yield
    }) : () -> ()
    %get3A = arith.constant 0 : index
    %get3A_1 = tpu.vector_load %arg11[%get3A] {strides = array<i32>} : memref<128xf32, #tpu.memory_space<vmem>>, vector<16xf32>,
    %get3A_2 = vector.shape_cast %get3A_1 : vector<16xf32> to vector<16xf32>
    %get3A_3 = arith.constant 16 : index
    %get3A_4 = tpu.vector_load %arg11[%get3A_3] {strides = array<i32>} : memref<128xf32, #tpu.memory_space<vmem>>, vector<16xf32>,
    %get3A_5 = vector.shape_cast %get3A_4 : vector<16xf32> to vector<16xf32>
    %get3A_6 = arith.constant 32 : index
    %get3A_7 = tpu.vector_load %arg11[%get3A_6] {strides = array<i32>} : memref<128xf32, #tpu.memory_space<vmem>>, vector<16xf32>,
    %get3A_8 = vector.shape_cast %get3A_7 : vector<16xf32> to vector<16xf32>
    %get3A_9 = arith.constant 48 : index
    %get3A_10 = tpu.vector_load %arg11[%get3A_9] {strides = array<i32>} : memref<128xf32, #tpu.memory_space<vmem>>, vector<16xf32>,
    %get3A_11 = vector.shape_cast %get3A_10 : vector<16xf32> to vector<16xf32>
    %get3A_12 = arith.constant 64 : index
    %get3A_13 = tpu.vector_load %arg11[%get3A_12] {strides = array<i32>} : memref<128xf32, #tpu.memory_space<vmem>>, vector<16xf32>,
    %get3A_14 = vector.shape_cast %get3A_13 : vector<16xf32> to vector<16xf32>
    %get3A_15 = arith.constant 80 : index
    %get3A_16 = tpu.vector_load %arg11[%get3A_15] {strides = array<i32>} : memref<128xf32, #tpu.memory_space<vmem>>, vector<16xf32>,
    %get3A_17 = vector.shape_cast %get3A_16 : vector<16xf32> to vector<16xf32>
    %get3A_18 = arith.constant 96 : index
    %get3A_19 = tpu.vector_load %arg11[%get3A_18] {strides = array<i32>} : memref<128xf32, #tpu.memory_space<vmem>>, vector<16xf32>,
    %get3A_20 = vector.shape_cast %get3A_19 : vector<16xf32> to vector<16xf32>
    %get3A_21 = arith.constant 112 : index
    %get3A_22 = tpu.vector_load %arg11[%get3A_21] {strides = array<i32>} : memref<128xf32, #tpu.memory_space<vmem>>, vector<16xf32>,
    %get3A_23 = vector.shape_cast %get3A_22 : vector<16xf32> to vector<16xf32>
    %get3A_24 = arith.constant 0 : index
    %get3A_25 = tpu.vector_load %arg12[%get3A_24] {strides = array<i32>} : memref<128xf32, #tpu.memory_space<vmem>>, vector<16xf32>,
    %get3A_26 = vector.shape_cast %get3A_25 : vector<16xf32> to vector<16xf32>
    %get3A_27 = arith.constant 16 : index
    %get3A_28 = tpu.vector_load %arg12[%get3A_27] {strides = array<i32>} : memref<128xf32, #tpu.memory_space<vmem>>, vector<16xf32>,
    %get3A_29 = vector.shape_cast %get3A_28 : vector<16xf32> to vector<16xf32>
    %get3A_30 = arith.constant 32 : index
    %get3A_31 = tpu.vector_load %arg12[%get3A_30] {strides = array<i32>} : memref<128xf32, #tpu.memory_space<vmem>>, vector<16xf32>,
    %get3A_32 = vector.shape_cast %get3A_31 : vector<16xf32> to vector<16xf32>
    %get3A_33 = arith.constant 48 : index
    %get3A_34 = tpu.vector_load %arg12[%get3A_33] {strides = array<i32>} : memref<128xf32, #tpu.memory_space<vmem>>, vector<16xf32>,
    %get3A_35 = vector.shape_cast %get3A_34 : vector<16xf32> to vector<16xf32>
    %get3A_36 = arith.constant 64 : index
    %get3A_37 = tpu.vector_load %arg12[%get3A_36] {strides = array<i32>} : memref<128xf32, #tpu.memory_space<vmem>>, vector<16xf32>,
    %get3A_38 = vector.shape_cast %get3A_37 : vector<16xf32> to vector<16xf32>
    %get3A_39 = arith.constant 80 : index
    %get3A_40 = tpu.vector_load %arg12[%get3A_39] {strides = array<i32>} : memref<128xf32, #tpu.memory_space<vmem>>, vector<16xf32>,
    %get3A_41 = vector.shape_cast %get3A_40 : vector<16xf32> to vector<16xf32>
    %get3A_42 = arith.constant 96 : index
    %get3A_43 = tpu.vector_load %arg12[%get3A_42] {strides = array<i32>} : memref<128xf32, #tpu.memory_space<vmem>>, vector<16xf32>,
    %get3A_44 = vector.shape_cast %get3A_43 : vector<16xf32> to vector<16xf32>
    %get3A_45 = arith.constant 112 : index
    %get3A_46 = tpu.vector_load %arg12[%get3A_45] {strides = array<i32>} : memref<128xf32, #tpu.memory_space<vmem>>, vector<16xf32>,
    %get3A_47 = vector.shape_cast %get3A_46 : vector<16xf32> to vector<16xf32>
    %scan3A = arith.constant 7.812500e-03 : f32
    %scan3A_48 = arith.constant 0 : i32
    %scan3A_49 = arith.constant 0 : i32
    %scan3A_50 = arith.constant 32 : i32
    %scan3A_51 = arith.addi %scan3A_49, %scan3A_50 : i32
    %scan3A_52 = arith.constant 1 : i32
    %scan3A_53 = scf.for %scan3A_55 = %scan3A_49 to %scan3A_51 step %scan3A_52 iter_args(%scan3A_56 = %scan3A_48) -> (i32)  : i32 {
      %mul3A_57 = arith.constant 32 : i32
      %mul3A_58 = arith.muli %add3A, %mul3A_57 : i32
      %add3A_59 = arith.addi %mul3A_58, %scan3A_55 : i32
      "tpu.region"() ({
        %run_scoped3A = tpu.sem_alloc : memref<!tpu.dma_semaphore, #tpu.memory_space<semaphore_mem>>
        %dma_start3A_98 = arith.constant 0 : i32
        %dma_start3A_99 = tpu.memref_slice %arg2[%add3A_59, %dma_start3A_98] : memref<1024x200xi32, #tpu.memory_space<hbm>> -> memref<1x200xi32, #tpu.memory_space<hbm>>
        %dma_start3A_100 = tpu.memref_squeeze %dma_start3A_99 : memref<1x200xi32, #tpu.memory_space<hbm>> -> memref<200xi32, #tpu.memory_space<hbm>>
        %dma_start3A_101 = arith.constant 0 : i32
        %dma_start3A_102 = tpu.memref_slice %arg2[%add3A_59, %dma_start3A_101] : memref<1024x200xi32, #tpu.memory_space<hbm>> -> memref<1x200xi32, #tpu.memory_space<hbm>>
        %dma_start3A_103 = tpu.memref_squeeze %dma_start3A_102 : memref<1x200xi32, #tpu.memory_space<hbm>> -> memref<200xi32, #tpu.memory_space<hbm>>
        tpu.enqueue_dma source(%dma_start3A_103 : memref<200xi32, #tpu.memory_space<hbm>>) target(%arg8 : memref<200xi32, #tpu.memory_space<vmem>>) target_semaphore(%run_scoped3A : memref<!tpu.dma_semaphore, #tpu.memory_space<semaphore_mem>>)
        %dma_wait3A_104 = arith.constant 0 : i32
        %dma_wait3A_105 = tpu.memref_slice %arg2[%add3A_59, %dma_wait3A_104] : memref<1024x200xi32, #tpu.memory_space<hbm>> -> memref<1x200xi32, #tpu.memory_space<hbm>>
        %dma_wait3A_106 = tpu.memref_squeeze %dma_wait3A_105 : memref<1x200xi32, #tpu.memory_space<hbm>> -> memref<200xi32, #tpu.memory_space<hbm>>
        %dma_wait3A_107 = arith.constant 0 : i32
        %dma_wait3A_108 = tpu.memref_slice %arg2[%add3A_59, %dma_wait3A_107] : memref<1024x200xi32, #tpu.memory_space<hbm>> -> memref<1x200xi32, #tpu.memory_space<hbm>>
        %dma_wait3A_109 = tpu.memref_squeeze %dma_wait3A_108 : memref<1x200xi32, #tpu.memory_space<hbm>> -> memref<200xi32, #tpu.memory_space<hbm>>
        tpu.wait_dma2 semaphore(%run_scoped3A : memref<!tpu.dma_semaphore, #tpu.memory_space<semaphore_mem>>) src(%dma_wait3A_109 : memref<200xi32, #tpu.memory_space<hbm>>) dst(%arg8 : memref<200xi32, #tpu.memory_space<vmem>>)
        tpu.yield
      }) : () -> ()
      %dma_start3A = arith.constant 0 : i32
      %dma_start3A_60 = arith.constant 0 : i32
      %dma_start3A_61 = tpu.memref_slice %arg9[%dma_start3A, %dma_start3A_60] : memref<200x128xf32, #tpu.memory_space<vmem>> -> memref<104x128xf32, #tpu.memory_space<vmem>>
      %dma_start3A_62 = arith.constant 0 : i32
      %dma_start3A_63 = tpu.memref_slice %arg8[%dma_start3A_62] : memref<200xi32, #tpu.memory_space<vmem>> -> memref<104xi32, #tpu.memory_space<vmem>>
      %dma_start3A_64 = arith.constant 0 : i32
      %dma_start3A_65 = arith.constant 0 : i32
      %dma_start3A_66 = tpu.memref_slice %arg3[%dma_start3A_64, %dma_start3A_65] : memref<100000x128xf32, #tpu.memory_space<hbm>> -> memref<100000x128xf32, #tpu.memory_space<hbm>>
      tpu.enqueue_indirect_dma source(%dma_start3A_66 : memref<100000x128xf32, #tpu.memory_space<hbm>>) target(%dma_start3A_61 : memref<104x128xf32, #tpu.memory_space<vmem>>) offsets(%dma_start3A_63 : memref<104xi32, #tpu.memory_space<vmem>>) semaphore(%arg13 : memref<!tpu.dma_semaphore, #tpu.memory_space<semaphore_mem>>)
      %dma_start3A_67 = arith.constant 104 : i32
      %dma_start3A_68 = arith.constant 0 : i32
      %dma_start3A_69 = tpu.memref_slice %arg9[%dma_start3A_67, %dma_start3A_68] : memref<200x128xf32, #tpu.memory_space<vmem>> -> memref<96x128xf32, #tpu.memory_space<vmem>>
      %dma_start3A_70 = arith.constant 104 : i32
      %dma_start3A_71 = tpu.memref_slice %arg8[%dma_start3A_70] : memref<200xi32, #tpu.memory_space<vmem>> -> memref<96xi32, #tpu.memory_space<vmem>>
      %dma_start3A_72 = arith.constant 0 : i32
      %dma_start3A_73 = arith.constant 0 : i32
      %dma_start3A_74 = tpu.memref_slice %arg3[%dma_start3A_72, %dma_start3A_73] : memref<100000x128xf32, #tpu.memory_space<hbm>> -> memref<100000x128xf32, #tpu.memory_space<hbm>>
      tpu.enqueue_indirect_dma source(%dma_start3A_74 : memref<100000x128xf32, #tpu.memory_space<hbm>>) target(%dma_start3A_69 : memref<96x128xf32, #tpu.memory_space<vmem>>) offsets(%dma_start3A_71 : memref<96xi32, #tpu.memory_space<vmem>>) semaphore(%arg13 : memref<!tpu.dma_semaphore, #tpu.memory_space<semaphore_mem>>)
      %dma_wait3A = arith.constant 0 : i32
      %dma_wait3A_75 = arith.constant 0 : i32
      %dma_wait3A_76 = tpu.memref_slice %arg9[%dma_wait3A, %dma_wait3A_75] : memref<200x128xf32, #tpu.memory_space<vmem>> -> memref<104x128xf32, #tpu.memory_space<vmem>>
      %dma_wait3A_77 = arith.constant 0 : i32
      %dma_wait3A_78 = tpu.memref_slice %arg8[%dma_wait3A_77] : memref<200xi32, #tpu.memory_space<vmem>> -> memref<104xi32, #tpu.memory_space<vmem>>
      %dma_wait3A_79 = arith.constant 0 : i32
      %dma_wait3A_80 = arith.constant 0 : i32
      %dma_wait3A_81 = tpu.memref_slice %arg3[%dma_wait3A_79, %dma_wait3A_80] : memref<100000x128xf32, #tpu.memory_space<hbm>> -> memref<100000x128xf32, #tpu.memory_space<hbm>>
      tpu.wait_indirect_dma semaphore(%arg13 : memref<!tpu.dma_semaphore, #tpu.memory_space<semaphore_mem>>) src(%dma_wait3A_81 : memref<100000x128xf32, #tpu.memory_space<hbm>>) dst(%dma_wait3A_76 : memref<104x128xf32, #tpu.memory_space<vmem>>)
      %dma_wait3A_82 = arith.constant 104 : i32
      %dma_wait3A_83 = arith.constant 0 : i32
      %dma_wait3A_84 = tpu.memref_slice %arg9[%dma_wait3A_82, %dma_wait3A_83] : memref<200x128xf32, #tpu.memory_space<vmem>> -> memref<96x128xf32, #tpu.memory_space<vmem>>
      %dma_wait3A_85 = arith.constant 104 : i32
      %dma_wait3A_86 = tpu.memref_slice %arg8[%dma_wait3A_85] : memref<200xi32, #tpu.memory_space<vmem>> -> memref<96xi32, #tpu.memory_space<vmem>>
      %dma_wait3A_87 = arith.constant 0 : i32
      %dma_wait3A_88 = arith.constant 0 : i32
      %dma_wait3A_89 = tpu.memref_slice %arg3[%dma_wait3A_87, %dma_wait3A_88] : memref<100000x128xf32, #tpu.memory_space<hbm>> -> memref<100000x128xf32, #tpu.memory_space<hbm>>
      tpu.wait_indirect_dma semaphore(%arg13 : memref<!tpu.dma_semaphore, #tpu.memory_space<semaphore_mem>>) src(%dma_wait3A_89 : memref<100000x128xf32, #tpu.memory_space<hbm>>) dst(%dma_wait3A_84 : memref<96x128xf32, #tpu.memory_space<vmem>>)
      %scan3A_90 = arith.constant 0 : i32
      %scan3A_91 = arith.constant 0 : i32
      %scan3A_92 = arith.constant 200 : i32
      %scan3A_93 = arith.addi %scan3A_91, %scan3A_92 : i32
      %scan3A_94 = arith.constant 1 : i32
      %scan3A_95 = scf.for %scan3A_98 = %scan3A_91 to %scan3A_93 step %scan3A_94 iter_args(%scan3A_99 = %scan3A_90) -> (i32)  : i32 {
        %get3A_100 = arith.index_cast %scan3A_98 : i32 to index
        %get3A_101 = arith.constant 0 : index
        %get3A_102 = tpu.vector_load %arg9[%get3A_100, %get3A_101] {strides = array<i32>} : memref<200x128xf32, #tpu.memory_space<vmem>>, vector<1x16xf32>,
        %get3A_103 = vector.shape_cast %get3A_102 : vector<1x16xf32> to vector<16xf32>
        %get3A_104 = arith.index_cast %scan3A_98 : i32 to index
        %get3A_105 = arith.constant 0 : index
        %get3A_106 = tpu.vector_load %arg10[%get3A_104, %get3A_105] {strides = array<i32>} : memref<200x128xf32, #tpu.memory_space<vmem>>, vector<1x16xf32>,
        %get3A_107 = vector.shape_cast %get3A_106 : vector<1x16xf32> to vector<16xf32>
        %add3A_108 = arith.addf %get3A_103, %get3A_107 : vector<16xf32>
        %get3A_109 = arith.index_cast %scan3A_98 : i32 to index
        %get3A_110 = arith.constant 16 : index
        %get3A_111 = tpu.vector_load %arg9[%get3A_109, %get3A_110] {strides = array<i32>} : memref<200x128xf32, #tpu.memory_space<vmem>>, vector<1x16xf32>,
        %get3A_112 = vector.shape_cast %get3A_111 : vector<1x16xf32> to vector<16xf32>
        %get3A_113 = arith.index_cast %scan3A_98 : i32 to index
        %get3A_114 = arith.constant 16 : index
        %get3A_115 = tpu.vector_load %arg10[%get3A_113, %get3A_114] {strides = array<i32>} : memref<200x128xf32, #tpu.memory_space<vmem>>, vector<1x16xf32>,
        %get3A_116 = vector.shape_cast %get3A_115 : vector<1x16xf32> to vector<16xf32>
        %add3A_117 = arith.addf %get3A_112, %get3A_116 : vector<16xf32>
        %get3A_118 = arith.index_cast %scan3A_98 : i32 to index
        %get3A_119 = arith.constant 32 : index
        %get3A_120 = tpu.vector_load %arg9[%get3A_118, %get3A_119] {strides = array<i32>} : memref<200x128xf32, #tpu.memory_space<vmem>>, vector<1x16xf32>,
        %get3A_121 = vector.shape_cast %get3A_120 : vector<1x16xf32> to vector<16xf32>
        %get3A_122 = arith.index_cast %scan3A_98 : i32 to index
        %get3A_123 = arith.constant 32 : index
        %get3A_124 = tpu.vector_load %arg10[%get3A_122, %get3A_123] {strides = array<i32>} : memref<200x128xf32, #tpu.memory_space<vmem>>, vector<1x16xf32>,
        %get3A_125 = vector.shape_cast %get3A_124 : vector<1x16xf32> to vector<16xf32>
        %add3A_126 = arith.addf %get3A_121, %get3A_125 : vector<16xf32>
        %get3A_127 = arith.index_cast %scan3A_98 : i32 to index
        %get3A_128 = arith.constant 48 : index
        %get3A_129 = tpu.vector_load %arg9[%get3A_127, %get3A_128] {strides = array<i32>} : memref<200x128xf32, #tpu.memory_space<vmem>>, vector<1x16xf32>,
        %get3A_130 = vector.shape_cast %get3A_129 : vector<1x16xf32> to vector<16xf32>
        %get3A_131 = arith.index_cast %scan3A_98 : i32 to index
        %get3A_132 = arith.constant 48 : index
        %get3A_133 = tpu.vector_load %arg10[%get3A_131, %get3A_132] {strides = array<i32>} : memref<200x128xf32, #tpu.memory_space<vmem>>, vector<1x16xf32>,
        %get3A_134 = vector.shape_cast %get3A_133 : vector<1x16xf32> to vector<16xf32>
        %add3A_135 = arith.addf %get3A_130, %get3A_134 : vector<16xf32>
        %get3A_136 = arith.index_cast %scan3A_98 : i32 to index
        %get3A_137 = arith.constant 64 : index
        %get3A_138 = tpu.vector_load %arg9[%get3A_136, %get3A_137] {strides = array<i32>} : memref<200x128xf32, #tpu.memory_space<vmem>>, vector<1x16xf32>,
        %get3A_139 = vector.shape_cast %get3A_138 : vector<1x16xf32> to vector<16xf32>
        %get3A_140 = arith.index_cast %scan3A_98 : i32 to index
        %get3A_141 = arith.constant 64 : index
        %get3A_142 = tpu.vector_load %arg10[%get3A_140, %get3A_141] {strides = array<i32>} : memref<200x128xf32, #tpu.memory_space<vmem>>, vector<1x16xf32>,
        %get3A_143 = vector.shape_cast %get3A_142 : vector<1x16xf32> to vector<16xf32>
        %add3A_144 = arith.addf %get3A_139, %get3A_143 : vector<16xf32>
        %get3A_145 = arith.index_cast %scan3A_98 : i32 to index
        %get3A_146 = arith.constant 80 : index
        %get3A_147 = tpu.vector_load %arg9[%get3A_145, %get3A_146] {strides = array<i32>} : memref<200x128xf32, #tpu.memory_space<vmem>>, vector<1x16xf32>,
        %get3A_148 = vector.shape_cast %get3A_147 : vector<1x16xf32> to vector<16xf32>
        %get3A_149 = arith.index_cast %scan3A_98 : i32 to index
        %get3A_150 = arith.constant 80 : index
        %get3A_151 = tpu.vector_load %arg10[%get3A_149, %get3A_150] {strides = array<i32>} : memref<200x128xf32, #tpu.memory_space<vmem>>, vector<1x16xf32>,
        %get3A_152 = vector.shape_cast %get3A_151 : vector<1x16xf32> to vector<16xf32>
        %add3A_153 = arith.addf %get3A_148, %get3A_152 : vector<16xf32>
        %get3A_154 = arith.index_cast %scan3A_98 : i32 to index
        %get3A_155 = arith.constant 96 : index
        %get3A_156 = tpu.vector_load %arg9[%get3A_154, %get3A_155] {strides = array<i32>} : memref<200x128xf32, #tpu.memory_space<vmem>>, vector<1x16xf32>,
        %get3A_157 = vector.shape_cast %get3A_156 : vector<1x16xf32> to vector<16xf32>
        %get3A_158 = arith.index_cast %scan3A_98 : i32 to index
        %get3A_159 = arith.constant 96 : index
        %get3A_160 = tpu.vector_load %arg10[%get3A_158, %get3A_159] {strides = array<i32>} : memref<200x128xf32, #tpu.memory_space<vmem>>, vector<1x16xf32>,
        %get3A_161 = vector.shape_cast %get3A_160 : vector<1x16xf32> to vector<16xf32>
        %add3A_162 = arith.addf %get3A_157, %get3A_161 : vector<16xf32>
        %get3A_163 = arith.index_cast %scan3A_98 : i32 to index
        %get3A_164 = arith.constant 112 : index
        %get3A_165 = tpu.vector_load %arg9[%get3A_163, %get3A_164] {strides = array<i32>} : memref<200x128xf32, #tpu.memory_space<vmem>>, vector<1x16xf32>,
        %get3A_166 = vector.shape_cast %get3A_165 : vector<1x16xf32> to vector<16xf32>
        %get3A_167 = arith.index_cast %scan3A_98 : i32 to index
        %get3A_168 = arith.constant 112 : index
        %get3A_169 = tpu.vector_load %arg10[%get3A_167, %get3A_168] {strides = array<i32>} : memref<200x128xf32, #tpu.memory_space<vmem>>, vector<1x16xf32>,
        %get3A_170 = vector.shape_cast %get3A_169 : vector<1x16xf32> to vector<16xf32>
        %add3A_171 = arith.addf %get3A_166, %get3A_170 : vector<16xf32>
        %add3A_172 = arith.addf %add3A_108, %add3A_117 : vector<16xf32>
        %add3A_173 = arith.addf %add3A_126, %add3A_135 : vector<16xf32>
        %add3A_174 = arith.addf %add3A_144, %add3A_153 : vector<16xf32>
        %add3A_175 = arith.addf %add3A_162, %add3A_171 : vector<16xf32>
        %add3A_176 = arith.addf %add3A_172, %add3A_173 : vector<16xf32>
        %add3A_177 = arith.addf %add3A_174, %add3A_175 : vector<16xf32>
        %add3A_178 = arith.addf %add3A_176, %add3A_177 : vector<16xf32>
        %iota3A = tpu.iota {dimensions = array<i32: 0>} : vector<16xi32>
        %xor3A = arith.constant 8 : i32
        %xor3A_179 = vector.broadcast %xor3A : i32 to vector<16xi32>
        %xor3A_180 = arith.xori %iota3A, %xor3A_179 : vector<16xi32>
        %broadcast_in_dim3A = vector.shape_cast %xor3A_180 : vector<16xi32> to vector<16x1xi32>
        %gather3A = vector.shape_cast %broadcast_in_dim3A : vector<16x1xi32> to vector<16xi32>
        %gather3A_181 = tpu.dynamic_gather %add3A_178[%gather3A] in [0] : vector<16xf32>, vector<16xi32> -> vector<16xf32>
        %add3A_182 = arith.addf %add3A_178, %gather3A_181 : vector<16xf32>
        %iota3A_183 = tpu.iota {dimensions = array<i32: 0>} : vector<16xi32>
        %xor3A_184 = arith.constant 4 : i32
        %xor3A_185 = vector.broadcast %xor3A_184 : i32 to vector<16xi32>
        %xor3A_186 = arith.xori %iota3A_183, %xor3A_185 : vector<16xi32>
        %broadcast_in_dim3A_187 = vector.shape_cast %xor3A_186 : vector<16xi32> to vector<16x1xi32>
        %gather3A_188 = vector.shape_cast %broadcast_in_dim3A_187 : vector<16x1xi32> to vector<16xi32>
        %gather3A_189 = tpu.dynamic_gather %add3A_182[%gather3A_188] in [0] : vector<16xf32>, vector<16xi32> -> vector<16xf32>
        %add3A_190 = arith.addf %add3A_182, %gather3A_189 : vector<16xf32>
        %iota3A_191 = tpu.iota {dimensions = array<i32: 0>} : vector<16xi32>
        %xor3A_192 = arith.constant 2 : i32
        %xor3A_193 = vector.broadcast %xor3A_192 : i32 to vector<16xi32>
        %xor3A_194 = arith.xori %iota3A_191, %xor3A_193 : vector<16xi32>
        %broadcast_in_dim3A_195 = vector.shape_cast %xor3A_194 : vector<16xi32> to vector<16x1xi32>
        %gather3A_196 = vector.shape_cast %broadcast_in_dim3A_195 : vector<16x1xi32> to vector<16xi32>
        %gather3A_197 = tpu.dynamic_gather %add3A_190[%gather3A_196] in [0] : vector<16xf32>, vector<16xi32> -> vector<16xf32>
        %add3A_198 = arith.addf %add3A_190, %gather3A_197 : vector<16xf32>
        %iota3A_199 = tpu.iota {dimensions = array<i32: 0>} : vector<16xi32>
        %xor3A_200 = arith.constant 1 : i32
        %xor3A_201 = vector.broadcast %xor3A_200 : i32 to vector<16xi32>
        %xor3A_202 = arith.xori %iota3A_199, %xor3A_201 : vector<16xi32>
        %broadcast_in_dim3A_203 = vector.shape_cast %xor3A_202 : vector<16xi32> to vector<16x1xi32>
        %gather3A_204 = vector.shape_cast %broadcast_in_dim3A_203 : vector<16x1xi32> to vector<16xi32>
        %gather3A_205 = tpu.dynamic_gather %add3A_198[%gather3A_204] in [0] : vector<16xf32>, vector<16xi32> -> vector<16xf32>
        %add3A_206 = arith.addf %add3A_198, %gather3A_205 : vector<16xf32>
        %mul3A_207 = arith.mulf %add3A_108, %add3A_108 : vector<16xf32>
        %mul3A_208 = arith.mulf %add3A_117, %add3A_117 : vector<16xf32>
        %mul3A_209 = arith.mulf %add3A_126, %add3A_126 : vector<16xf32>
        %mul3A_210 = arith.mulf %add3A_135, %add3A_135 : vector<16xf32>
        %mul3A_211 = arith.mulf %add3A_144, %add3A_144 : vector<16xf32>
        %mul3A_212 = arith.mulf %add3A_153, %add3A_153 : vector<16xf32>
        %mul3A_213 = arith.mulf %add3A_162, %add3A_162 : vector<16xf32>
        %mul3A_214 = arith.mulf %add3A_171, %add3A_171 : vector<16xf32>
        %add3A_215 = arith.addf %mul3A_207, %mul3A_208 : vector<16xf32>
        %add3A_216 = arith.addf %mul3A_209, %mul3A_210 : vector<16xf32>
        %add3A_217 = arith.addf %mul3A_211, %mul3A_212 : vector<16xf32>
        %add3A_218 = arith.addf %mul3A_213, %mul3A_214 : vector<16xf32>
        %add3A_219 = arith.addf %add3A_215, %add3A_216 : vector<16xf32>
        %add3A_220 = arith.addf %add3A_217, %add3A_218 : vector<16xf32>
        %add3A_221 = arith.addf %add3A_219, %add3A_220 : vector<16xf32>
        %iota3A_222 = tpu.iota {dimensions = array<i32: 0>} : vector<16xi32>
        %xor3A_223 = arith.constant 8 : i32
        %xor3A_224 = vector.broadcast %xor3A_223 : i32 to vector<16xi32>
        %xor3A_225 = arith.xori %iota3A_222, %xor3A_224 : vector<16xi32>
        %broadcast_in_dim3A_226 = vector.shape_cast %xor3A_225 : vector<16xi32> to vector<16x1xi32>
        %gather3A_227 = vector.shape_cast %broadcast_in_dim3A_226 : vector<16x1xi32> to vector<16xi32>
        %gather3A_228 = tpu.dynamic_gather %add3A_221[%gather3A_227] in [0] : vector<16xf32>, vector<16xi32> -> vector<16xf32>
        %add3A_229 = arith.addf %add3A_221, %gather3A_228 : vector<16xf32>
        %iota3A_230 = tpu.iota {dimensions = array<i32: 0>} : vector<16xi32>
        %xor3A_231 = arith.constant 4 : i32
        %xor3A_232 = vector.broadcast %xor3A_231 : i32 to vector<16xi32>
        %xor3A_233 = arith.xori %iota3A_230, %xor3A_232 : vector<16xi32>
        %broadcast_in_dim3A_234 = vector.shape_cast %xor3A_233 : vector<16xi32> to vector<16x1xi32>
        %gather3A_235 = vector.shape_cast %broadcast_in_dim3A_234 : vector<16x1xi32> to vector<16xi32>
        %gather3A_236 = tpu.dynamic_gather %add3A_229[%gather3A_235] in [0] : vector<16xf32>, vector<16xi32> -> vector<16xf32>
        %add3A_237 = arith.addf %add3A_229, %gather3A_236 : vector<16xf32>
        %iota3A_238 = tpu.iota {dimensions = array<i32: 0>} : vector<16xi32>
        %xor3A_239 = arith.constant 2 : i32
        %xor3A_240 = vector.broadcast %xor3A_239 : i32 to vector<16xi32>
        %xor3A_241 = arith.xori %iota3A_238, %xor3A_240 : vector<16xi32>
        %broadcast_in_dim3A_242 = vector.shape_cast %xor3A_241 : vector<16xi32> to vector<16x1xi32>
        %gather3A_243 = vector.shape_cast %broadcast_in_dim3A_242 : vector<16x1xi32> to vector<16xi32>
        %gather3A_244 = tpu.dynamic_gather %add3A_237[%gather3A_243] in [0] : vector<16xf32>, vector<16xi32> -> vector<16xf32>
        %add3A_245 = arith.addf %add3A_237, %gather3A_244 : vector<16xf32>
        %iota3A_246 = tpu.iota {dimensions = array<i32: 0>} : vector<16xi32>
        %xor3A_247 = arith.constant 1 : i32
        %xor3A_248 = vector.broadcast %xor3A_247 : i32 to vector<16xi32>
        %xor3A_249 = arith.xori %iota3A_246, %xor3A_248 : vector<16xi32>
        %broadcast_in_dim3A_250 = vector.shape_cast %xor3A_249 : vector<16xi32> to vector<16x1xi32>
        %gather3A_251 = vector.shape_cast %broadcast_in_dim3A_250 : vector<16x1xi32> to vector<16xi32>
        %gather3A_252 = tpu.dynamic_gather %add3A_245[%gather3A_251] in [0] : vector<16xf32>, vector<16xi32> -> vector<16xf32>
        %add3A_253 = arith.addf %add3A_245, %gather3A_252 : vector<16xf32>
        %mul3A_254 = vector.broadcast %scan3A : f32 to vector<16xf32>
        %mul3A_255 = arith.mulf %add3A_206, %mul3A_254 : vector<16xf32>
        %mul3A_256 = vector.broadcast %scan3A : f32 to vector<16xf32>
        %mul3A_257 = arith.mulf %add3A_253, %mul3A_256 : vector<16xf32>
        %mul3A_258 = arith.mulf %mul3A_255, %mul3A_255 : vector<16xf32>
        %sub3A = arith.subf %mul3A_257, %mul3A_258 : vector<16xf32>
        %add3A_259 = arith.constant 9.99999996E-13 : f32
        %add3A_260 = vector.broadcast %add3A_259 : f32 to vector<16xf32>
        %add3A_261 = arith.addf %sub3A, %add3A_260 : vector<16xf32>
        %bitcast_convert_type3A = tpu.bitcast %add3A_261 : vector<16xf32> -> vector<16xi32>
        %shift_right_arithmetic3A = arith.constant 1 : i32
        %shift_right_arithmetic3A_262 = vector.broadcast %shift_right_arithmetic3A : i32 to vector<16xi32>
        %shift_right_arithmetic3A_263 = arith.shrsi %bitcast_convert_type3A, %shift_right_arithmetic3A_262 : vector<16xi32>
        %sub3A_264 = arith.constant 1597463007 : i32
        %sub3A_265 = vector.broadcast %sub3A_264 : i32 to vector<16xi32>
        %sub3A_266 = arith.subi %sub3A_265, %shift_right_arithmetic3A_263 : vector<16xi32>
        %bitcast_convert_type3A_267 = tpu.bitcast %sub3A_266 : vector<16xi32> -> vector<16xf32>
        %mul3A_268 = arith.constant 5.000000e-01 : f32
        %mul3A_269 = vector.broadcast %mul3A_268 : f32 to vector<16xf32>
        %mul3A_270 = arith.mulf %mul3A_269, %add3A_261 : vector<16xf32>
        %mul3A_271 = arith.mulf %mul3A_270, %bitcast_convert_type3A_267 : vector<16xf32>
        %mul3A_272 = arith.mulf %mul3A_271, %bitcast_convert_type3A_267 : vector<16xf32>
        %sub3A_273 = arith.constant 1.500000e+00 : f32
        %sub3A_274 = vector.broadcast %sub3A_273 : f32 to vector<16xf32>
        %sub3A_275 = arith.subf %sub3A_274, %mul3A_272 : vector<16xf32>
        %mul3A_276 = arith.mulf %bitcast_convert_type3A_267, %sub3A_275 : vector<16xf32>
        %mul3A_277 = arith.mulf %mul3A_270, %mul3A_276 : vector<16xf32>
        %mul3A_278 = arith.mulf %mul3A_277, %mul3A_276 : vector<16xf32>
        %sub3A_279 = arith.constant 1.500000e+00 : f32
        %sub3A_280 = vector.broadcast %sub3A_279 : f32 to vector<16xf32>
        %sub3A_281 = arith.subf %sub3A_280, %mul3A_278 : vector<16xf32>
        %mul3A_282 = arith.mulf %mul3A_276, %sub3A_281 : vector<16xf32>
        %mul3A_283 = arith.mulf %mul3A_270, %mul3A_282 : vector<16xf32>
        %mul3A_284 = arith.mulf %mul3A_283, %mul3A_282 : vector<16xf32>
        %sub3A_285 = arith.constant 1.500000e+00 : f32
        %sub3A_286 = vector.broadcast %sub3A_285 : f32 to vector<16xf32>
        %sub3A_287 = arith.subf %sub3A_286, %mul3A_284 : vector<16xf32>
        %mul3A_288 = arith.mulf %mul3A_282, %sub3A_287 : vector<16xf32>
        %sub3A_289 = arith.subf %add3A_108, %mul3A_255 : vector<16xf32>
        %mul3A_290 = arith.mulf %sub3A_289, %mul3A_288 : vector<16xf32>
        %mul3A_291 = arith.mulf %mul3A_290, %get3A_2 : vector<16xf32>
        %add3A_292 = arith.addf %mul3A_291, %get3A_26 : vector<16xf32>
        %swap3A = arith.index_cast %scan3A_98 : i32 to index
        %swap3A_293 = arith.constant 0 : index
        %swap3A_294 = tpu.vector_load %arg9[%swap3A, %swap3A_293] {strides = array<i32>} : memref<200x128xf32, #tpu.memory_space<vmem>>, vector<1x16xf32>,
        %swap3A_295 = vector.shape_cast %swap3A_294 : vector<1x16xf32> to vector<16xf32>
        %swap3A_296 = vector.shape_cast %add3A_292 : vector<16xf32> to vector<1x16xf32>
        tpu.vector_store %arg9[%swap3A, %swap3A_293], %swap3A_296 {strides = array<i32>} : memref<200x128xf32, #tpu.memory_space<vmem>>, vector<1x16xf32>,
        %sub3A_297 = arith.subf %add3A_117, %mul3A_255 : vector<16xf32>
        %mul3A_298 = arith.mulf %sub3A_297, %mul3A_288 : vector<16xf32>
        %mul3A_299 = arith.mulf %mul3A_298, %get3A_5 : vector<16xf32>
        %add3A_300 = arith.addf %mul3A_299, %get3A_29 : vector<16xf32>
        %swap3A_301 = arith.index_cast %scan3A_98 : i32 to index
        %swap3A_302 = arith.constant 16 : index
        %swap3A_303 = tpu.vector_load %arg9[%swap3A_301, %swap3A_302] {strides = array<i32>} : memref<200x128xf32, #tpu.memory_space<vmem>>, vector<1x16xf32>,
        %swap3A_304 = vector.shape_cast %swap3A_303 : vector<1x16xf32> to vector<16xf32>
        %swap3A_305 = vector.shape_cast %add3A_300 : vector<16xf32> to vector<1x16xf32>
        tpu.vector_store %arg9[%swap3A_301, %swap3A_302], %swap3A_305 {strides = array<i32>} : memref<200x128xf32, #tpu.memory_space<vmem>>, vector<1x16xf32>,
        %sub3A_306 = arith.subf %add3A_126, %mul3A_255 : vector<16xf32>
        %mul3A_307 = arith.mulf %sub3A_306, %mul3A_288 : vector<16xf32>
        %mul3A_308 = arith.mulf %mul3A_307, %get3A_8 : vector<16xf32>
        %add3A_309 = arith.addf %mul3A_308, %get3A_32 : vector<16xf32>
        %swap3A_310 = arith.index_cast %scan3A_98 : i32 to index
        %swap3A_311 = arith.constant 32 : index
        %swap3A_312 = tpu.vector_load %arg9[%swap3A_310, %swap3A_311] {strides = array<i32>} : memref<200x128xf32, #tpu.memory_space<vmem>>, vector<1x16xf32>,
        %swap3A_313 = vector.shape_cast %swap3A_312 : vector<1x16xf32> to vector<16xf32>
        %swap3A_314 = vector.shape_cast %add3A_309 : vector<16xf32> to vector<1x16xf32>
        tpu.vector_store %arg9[%swap3A_310, %swap3A_311], %swap3A_314 {strides = array<i32>} : memref<200x128xf32, #tpu.memory_space<vmem>>, vector<1x16xf32>,
        %sub3A_315 = arith.subf %add3A_135, %mul3A_255 : vector<16xf32>
        %mul3A_316 = arith.mulf %sub3A_315, %mul3A_288 : vector<16xf32>
        %mul3A_317 = arith.mulf %mul3A_316, %get3A_11 : vector<16xf32>
        %add3A_318 = arith.addf %mul3A_317, %get3A_35 : vector<16xf32>
        %swap3A_319 = arith.index_cast %scan3A_98 : i32 to index
        %swap3A_320 = arith.constant 48 : index
        %swap3A_321 = tpu.vector_load %arg9[%swap3A_319, %swap3A_320] {strides = array<i32>} : memref<200x128xf32, #tpu.memory_space<vmem>>, vector<1x16xf32>,
        %swap3A_322 = vector.shape_cast %swap3A_321 : vector<1x16xf32> to vector<16xf32>
        %swap3A_323 = vector.shape_cast %add3A_318 : vector<16xf32> to vector<1x16xf32>
        tpu.vector_store %arg9[%swap3A_319, %swap3A_320], %swap3A_323 {strides = array<i32>} : memref<200x128xf32, #tpu.memory_space<vmem>>, vector<1x16xf32>,
        %sub3A_324 = arith.subf %add3A_144, %mul3A_255 : vector<16xf32>
        %mul3A_325 = arith.mulf %sub3A_324, %mul3A_288 : vector<16xf32>
        %mul3A_326 = arith.mulf %mul3A_325, %get3A_14 : vector<16xf32>
        %add3A_327 = arith.addf %mul3A_326, %get3A_38 : vector<16xf32>
        %swap3A_328 = arith.index_cast %scan3A_98 : i32 to index
        %swap3A_329 = arith.constant 64 : index
        %swap3A_330 = tpu.vector_load %arg9[%swap3A_328, %swap3A_329] {strides = array<i32>} : memref<200x128xf32, #tpu.memory_space<vmem>>, vector<1x16xf32>,
        %swap3A_331 = vector.shape_cast %swap3A_330 : vector<1x16xf32> to vector<16xf32>
        %swap3A_332 = vector.shape_cast %add3A_327 : vector<16xf32> to vector<1x16xf32>
        tpu.vector_store %arg9[%swap3A_328, %swap3A_329], %swap3A_332 {strides = array<i32>} : memref<200x128xf32, #tpu.memory_space<vmem>>, vector<1x16xf32>,
        %sub3A_333 = arith.subf %add3A_153, %mul3A_255 : vector<16xf32>
        %mul3A_334 = arith.mulf %sub3A_333, %mul3A_288 : vector<16xf32>
        %mul3A_335 = arith.mulf %mul3A_334, %get3A_17 : vector<16xf32>
        %add3A_336 = arith.addf %mul3A_335, %get3A_41 : vector<16xf32>
        %swap3A_337 = arith.index_cast %scan3A_98 : i32 to index
        %swap3A_338 = arith.constant 80 : index
        %swap3A_339 = tpu.vector_load %arg9[%swap3A_337, %swap3A_338] {strides = array<i32>} : memref<200x128xf32, #tpu.memory_space<vmem>>, vector<1x16xf32>,
        %swap3A_340 = vector.shape_cast %swap3A_339 : vector<1x16xf32> to vector<16xf32>
        %swap3A_341 = vector.shape_cast %add3A_336 : vector<16xf32> to vector<1x16xf32>
        tpu.vector_store %arg9[%swap3A_337, %swap3A_338], %swap3A_341 {strides = array<i32>} : memref<200x128xf32, #tpu.memory_space<vmem>>, vector<1x16xf32>,
        %sub3A_342 = arith.subf %add3A_162, %mul3A_255 : vector<16xf32>
        %mul3A_343 = arith.mulf %sub3A_342, %mul3A_288 : vector<16xf32>
        %mul3A_344 = arith.mulf %mul3A_343, %get3A_20 : vector<16xf32>
        %add3A_345 = arith.addf %mul3A_344, %get3A_44 : vector<16xf32>
        %swap3A_346 = arith.index_cast %scan3A_98 : i32 to index
        %swap3A_347 = arith.constant 96 : index
        %swap3A_348 = tpu.vector_load %arg9[%swap3A_346, %swap3A_347] {strides = array<i32>} : memref<200x128xf32, #tpu.memory_space<vmem>>, vector<1x16xf32>,
        %swap3A_349 = vector.shape_cast %swap3A_348 : vector<1x16xf32> to vector<16xf32>
        %swap3A_350 = vector.shape_cast %add3A_345 : vector<16xf32> to vector<1x16xf32>
        tpu.vector_store %arg9[%swap3A_346, %swap3A_347], %swap3A_350 {strides = array<i32>} : memref<200x128xf32, #tpu.memory_space<vmem>>, vector<1x16xf32>,
        %sub3A_351 = arith.subf %add3A_171, %mul3A_255 : vector<16xf32>
        %mul3A_352 = arith.mulf %sub3A_351, %mul3A_288 : vector<16xf32>
        %mul3A_353 = arith.mulf %mul3A_352, %get3A_23 : vector<16xf32>
        %add3A_354 = arith.addf %mul3A_353, %get3A_47 : vector<16xf32>
        %swap3A_355 = arith.index_cast %scan3A_98 : i32 to index
        %swap3A_356 = arith.constant 112 : index
        %swap3A_357 = tpu.vector_load %arg9[%swap3A_355, %swap3A_356] {strides = array<i32>} : memref<200x128xf32, #tpu.memory_space<vmem>>, vector<1x16xf32>,
        %swap3A_358 = vector.shape_cast %swap3A_357 : vector<1x16xf32> to vector<16xf32>
        %swap3A_359 = vector.shape_cast %add3A_354 : vector<16xf32> to vector<1x16xf32>
        tpu.vector_store %arg9[%swap3A_355, %swap3A_356], %swap3A_359 {strides = array<i32>} : memref<200x128xf32, #tpu.memory_space<vmem>>, vector<1x16xf32>,
        %scan3A_360 = arith.constant 0 : i32
        scf.yield %scan3A_360 : i32
      }
      %scan3A_96 = arith.constant 200 : i32
      "tpu.region"() ({
        %run_scoped3A = tpu.sem_alloc : memref<!tpu.dma_semaphore, #tpu.memory_space<semaphore_mem>>
        %dma_start3A_98 = arith.constant 0 : i32
        %dma_start3A_99 = arith.constant 0 : i32
        %dma_start3A_100 = tpu.memref_slice %arg7[%add3A_59, %dma_start3A_98, %dma_start3A_99] : memref<1024x200x128xf32, #tpu.memory_space<hbm>> -> memref<1x200x128xf32, #tpu.memory_space<hbm>>
        %dma_start3A_101 = tpu.memref_squeeze %dma_start3A_100 : memref<1x200x128xf32, #tpu.memory_space<hbm>> -> memref<200x128xf32, #tpu.memory_space<hbm>>
        %dma_start3A_102 = arith.constant 0 : i32
        %dma_start3A_103 = arith.constant 0 : i32
        %dma_start3A_104 = tpu.memref_slice %arg7[%add3A_59, %dma_start3A_102, %dma_start3A_103] : memref<1024x200x128xf32, #tpu.memory_space<hbm>> -> memref<1x200x128xf32, #tpu.memory_space<hbm>>
        %dma_start3A_105 = tpu.memref_squeeze %dma_start3A_104 : memref<1x200x128xf32, #tpu.memory_space<hbm>> -> memref<200x128xf32, #tpu.memory_space<hbm>>
        tpu.enqueue_dma source(%arg9 : memref<200x128xf32, #tpu.memory_space<vmem>>) target(%dma_start3A_105 : memref<200x128xf32, #tpu.memory_space<hbm>>) target_semaphore(%run_scoped3A : memref<!tpu.dma_semaphore, #tpu.memory_space<semaphore_mem>>)
        %dma_wait3A_106 = arith.constant 0 : i32
        %dma_wait3A_107 = arith.constant 0 : i32
        %dma_wait3A_108 = tpu.memref_slice %arg7[%add3A_59, %dma_wait3A_106, %dma_wait3A_107] : memref<1024x200x128xf32, #tpu.memory_space<hbm>> -> memref<1x200x128xf32, #tpu.memory_space<hbm>>
        %dma_wait3A_109 = tpu.memref_squeeze %dma_wait3A_108 : memref<1x200x128xf32, #tpu.memory_space<hbm>> -> memref<200x128xf32, #tpu.memory_space<hbm>>
        %dma_wait3A_110 = arith.constant 0 : i32
        %dma_wait3A_111 = arith.constant 0 : i32
        %dma_wait3A_112 = tpu.memref_slice %arg7[%add3A_59, %dma_wait3A_110, %dma_wait3A_111] : memref<1024x200x128xf32, #tpu.memory_space<hbm>> -> memref<1x200x128xf32, #tpu.memory_space<hbm>>
        %dma_wait3A_113 = tpu.memref_squeeze %dma_wait3A_112 : memref<1x200x128xf32, #tpu.memory_space<hbm>> -> memref<200x128xf32, #tpu.memory_space<hbm>>
        tpu.wait_dma2 semaphore(%run_scoped3A : memref<!tpu.dma_semaphore, #tpu.memory_space<semaphore_mem>>) src(%arg9 : memref<200x128xf32, #tpu.memory_space<vmem>>) dst(%dma_wait3A_113 : memref<200x128xf32, #tpu.memory_space<hbm>>)
        tpu.yield
      }) : () -> ()
      %scan3A_97 = arith.constant 0 : i32
      scf.yield %scan3A_97 : i32
    }
    %scan3A_54 = arith.constant 32 : i32
    return
  }
}

</mosaic_0001>

<sc_bundles>
// kernel: _run.3.cloned.1.call-start
scs
__scs_entry_jumppad:
0x0: {  	(pc) =	sbr.rel $0x88, $3  }
0x1: {  	(tag) =	ssettag $0x0;
	lr =	simm.s32 $0x1  }
0x2: {  	[smem:$0x3F9C] =	sst lr;
	_ =	strace $0xD0000000  }
0x3: {  	_ = 	snop  }
0x4: {  	_ = 	snop  }
0x5: {  	_ = 	snop  }
0x6: {  	_ = 	snop  }
0x7: {  	_ = 	snop  }
__scs_overlays_trampoline_lowered:
0x8: {  	[smem:$0x3FAB] =	sst s0  }
0x9: {  	[smem:$0x3FAC] =	sst s1  }
0xa: {  	[smem:$0x3FAD] =	sst s2  }
0xb: {  	[smem:$0x3FAE] =	sst s3  }
0xc: {  	[smem:$0x3FAF] =	sst s4  }
0xd: {  	[smem:$0x3FB0] =	sst s5  }
0xe: {  	[smem:$0x3FB1] =	sst s6  }
0xf: {  	[smem:$0x3FB2] =	sst s7  }
0x10: {  	[smem:$0x3FB3] =	sst s8  }
0x11: {  	[smem:$0x3FB4] =	sst s9;
	s0 =	simm.s32 @!p0 $0x0  }
0x12: {  	s1 =	sld [smem:$0x3F9A];
	s0 =	simm.s32 @p0 $0x1  }
0x13: {  	[smem:$0x3FB5] =	sst s0;
	s0 =	simm.s32 @!p1 $0x0  }
0x14: {  	s2 =	sld [smem:$0x3F99];
	s0 =	simm.s32 @p1 $0x1  }
0x15: {  	[smem:$0x3FB6] =	sst s0;
	s0 =	simm.s32 @!p2 $0x0  }
0x16: {  	s3 =	sld [smem:$0x3FDB];
	s0 =	simm.s32 @p2 $0x1  }
0x17: {  	s4 =	simm.s32 $0x1BF5;
	[smem:$0x3FB8] =	sst s0  }
0x18: {  	s0 =	sld [smem:$0x3F9B];
	_ =	swait.ge [sflag:s4], $0x0  }
0x19: {  	s7 =	sld [smem:$0x3F9C]  }
0x1a: {  	s8 =	sadd.s32 $0xFFFFE003, lr  }
0x1b: {  	s9 =	sadd.s32 $0xFFFFFEF7, lr;
	s5 =	simm.s32 $0xFFFFFFFF;
	p2 =	slt.u32 s8, $0xFFFFF086  }
0x1c: {  	p1 =	slt.u32 s9, $0xF7A;
	s5 =	simm.s32 @!p2 $0x0  }
0x1d: {  	s5 =	simm.s32 @p1 $0x1;
	p0 =	seq.s32 s7, s2  }
0x1e: {  	s7 =	smul.u32 @!p0 $0xF7A, s2;
	p2 =	seq.s32 @!p0 s5, $0x0  }
0x1f: {  	s9 =	smul.u32 $0xF7A, s1;
	s8 =	simm.s32 @!p0 $0x1BF5;
	p2 =	por !p2, p0  }
0x20: {  	[sflag:s8] =	ssyncset.s32 @!p0 $0xFFFFF086;
	s6 =	sadd.s32 @!p0 s3, s7;
	s7 =	simm.s32 @!p0 $0x108  }
0x21: {  	s3 =	sadd.s32 s3, s9;
	s6 =	sadd.s32 @!p0 $0x88, s6;
	s7 =	simm.s32 @p2 $0x1082  }
0x22: {  	[simem:s7], [sflag:s8] =	dma.local @!p0 [hbm:s6], $0xF7A  }
0x23: {  	s9 =	sor.u32 $0xD0000000, s2;
	s6 =	simm.s32 $0x108;
	_ =	swait.ge @!p0 [sflag:s8], $0x0  }
0x24: {  	s3 =	sadd.s32 $0x88, s3;
	s6 =	simm.s32 @!p1 $0x1082;
	[sflag:s4] =	ssyncset.s32 $0xFFFFF086  }
0x25: {  	[simem:s6], [sflag:s4] =	dma.local [hbm:s3], $0xF7A  }
0x26: {  	[smem:$0x3F9C] =	sst s1;
	(tag) =	ssettag s2;
	_ =	strace s9  }
0x27: {  	s1 =	sld [smem:$0x3FAC]  }
0x28: {  	s2 =	sld [smem:$0x3FAD]  }
0x29: {  	s4 =	sld [smem:$0x3FAF]  }
0x2a: {  	p0 =	seq.s32 s5, $0x0;
	s5 =	sld [smem:$0x3FB0]  }
0x2b: {  	s6 =	sld [smem:$0x3FB1]  }
0x2c: {  	s7 =	sld [smem:$0x3FB2]  }
0x2d: {  	s3 =	simm.s32 $0x108;
	s8 =	sld [smem:$0x3FB3]  }
0x2e: {  	s3 =	simm.s32 @!p0 $0x1082;
	s9 =	sld [smem:$0x3FB4]  }
0x2f: {  	lr =	sadd.s32 s0, s3;
	s0 =	sld [smem:$0x3FAB]  }
0x30: {  	s3 =	sld [smem:$0x3FAE]  }
0x31: {  	[smem:$0x3FB7] =	sst s10  }
0x32: {  	s10 =	sld [smem:$0x3FB5];
	_ =	sdelay $0x3  }
0x33: {  	p0 =	seq.s32 s10, $0x1;
	s10 =	sld [smem:$0x3FB7];
	_ =	sdelay $0x3  }
0x34: {  	[smem:$0x3FB7] =	sst s10  }
0x35: {  	s10 =	sld [smem:$0x3FB6];
	_ =	sdelay $0x3  }
0x36: {  	p1 =	seq.s32 s10, $0x1;
	s10 =	sld [smem:$0x3FB7];
	_ =	sdelay $0x3  }
0x37: {  	[smem:$0x3FB7] =	sst s10  }
0x38: {  	s10 =	sld [smem:$0x3FB8]  }
0x39: {  	_ = 	snop;
	(pc) =	sbr.ind lr, $3  }
0x3a: {  	_ = 	snop  }
0x3b: {  	_ = 	snop  }
0x3c: {  	p2 =	seq.s32 s10, $0x1;
	s10 =	sld [smem:$0x3FB7]  }
0x3d: {  	_ =	shalt  }
0x3e: {  	_ =	shalt  }
0x3f: {  	_ =	shalt  }
0x40: {  	_ =	shalt  }
0x41: {  	_ =	shalt  }
0x42: {  	_ =	shalt  }
0x43: {  	_ =	shalt  }
0x44: {  	_ =	shalt  }
0x45: {  	_ =	shalt  }
0x46: {  	_ =	shalt  }
0x47: {  	_ =	shalt  }
0x48: {  	_ =	shalt  }
0x49: {  	_ =	shalt  }
0x4a: {  	_ =	shalt  }
0x4b: {  	_ =	shalt  }
0x4c: {  	_ =	shalt  }
0x4d: {  	_ =	shalt  }
0x4e: {  	_ =	shalt  }
0x4f: {  	_ =	shalt  }
0x50: {  	_ =	shalt  }
0x51: {  	_ =	shalt  }
0x52: {  	_ =	shalt  }
0x53: {  	_ =	shalt  }
0x54: {  	_ =	shalt  }
0x55: {  	_ =	shalt  }
0x56: {  	_ =	shalt  }
0x57: {  	_ =	shalt  }
0x58: {  	_ =	shalt  }
0x59: {  	_ =	shalt  }
0x5a: {  	_ =	shalt  }
0x5b: {  	_ =	shalt  }
0x5c: {  	_ =	shalt  }
0x5d: {  	_ =	shalt  }
0x5e: {  	_ =	shalt  }
0x5f: {  	_ =	shalt  }
0x60: {  	_ =	shalt  }
0x61: {  	_ =	shalt  }
0x62: {  	_ =	shalt  }
0x63: {  	_ =	shalt  }
0x64: {  	_ =	shalt  }
0x65: {  	_ =	shalt  }
0x66: {  	_ =	shalt  }
0x67: {  	_ =	shalt  }
0x68: {  	_ =	shalt  }
0x69: {  	_ =	shalt  }
0x6a: {  	_ =	shalt  }
0x6b: {  	_ =	shalt  }
0x6c: {  	_ =	shalt  }
0x6d: {  	_ =	shalt  }
0x6e: {  	_ =	shalt  }
0x6f: {  	_ =	shalt  }
0x70: {  	_ =	shalt  }
0x71: {  	_ =	shalt  }
0x72: {  	_ =	shalt  }
0x73: {  	_ =	shalt  }
0x74: {  	_ =	shalt  }
0x75: {  	_ =	shalt  }
0x76: {  	_ =	shalt  }
0x77: {  	_ =	shalt  }
0x78: {  	_ =	shalt  }
0x79: {  	_ =	shalt  }
0x7a: {  	_ =	shalt  }
0x7b: {  	_ =	shalt  }
0x7c: {  	_ =	shalt  }
0x7d: {  	_ =	shalt  }
0x7e: {  	_ =	shalt  }
0x7f: {  	_ =	shalt  }
0x80: {  	_ =	shalt  }
0x81: {  	_ =	shalt  }
0x82: {  	_ =	shalt  }
0x83: {  	_ =	shalt  }
0x84: {  	_ =	shalt  }
0x85: {  	_ =	shalt  }
0x86: {  	_ =	shalt  }
0x87: {  	_ =	shalt  }
.Lfunc_end0:
.L_simem_size_0:
called_computation_lowered:
.L_overlay_start_0:
0x88: {  	s2 =	sld [smem:$0x3FD9]  }
0x89: {  	s3 =	sld [smem:$0x3FFE];
	_ =	sdelay $0x1  }
0x8a: {  	s1 =	srdreg.scid  }
0x8b: {  	s0 =	sand.u32 $0x1, s1  }
0x8c: {  	s17 =	sshll.u32 s0, $0xA;
	s2 =	sadd.s32 s3, s2  }
0x8d: {  	s2 =	sadd.s32 s2, s17  }
0x8e: {  	[smem:$0x3FC3] =	sst s2  }
0x8f: {  	_ = 	snop  }
0x90: {  	s2 =	sld [smem:$0x3FC8]  }
0x91: {  	s18 =	sld [smem:$0x3FC7]  }
0x92: {  	s4 =	sld [smem:$0x3FC6]  }
0x93: {  	s5 =	sld [smem:$0x3FC5]  }
0x94: {  	s6 =	sld [smem:$0x3FD0];
	(tm) =	ssettm $0x1  }
0x95: {  	s7 =	sld [smem:$0x3FFB];
	_ =	sdelay $0x3  }
0x96: {  	_ =	strace s7  }
0x97: {  	s7 =	sld [smem:$0x3FFC];
	_ =	sdelay $0x3  }
0x98: {  	_ =	strace s7  }
0x99: {  	s7 =	sld [smem:$0x3FFD];
	_ =	sdelay $0x3  }
0x9a: {  	_ =	strace s7  }
0x9b: {  	_ =	strace $0x8FFFFFFF  }
0x9c: {  	s19 =	sld [smem:$0x3FDB];
	_ =	sdelay $0x1  }
0x9d: {  	s8 =	simm.s32 $_scs_section_size  }
0x9e: {  	s9 =	simm.s32 $_size__tile_overlayer_lowered;
	s10 =	simm.s32 $_tile_overlayer_lowered  }
0x9f: {  	s22 =	simm.s32 $0x1BFF;
	s21 =	sshll.u32 s10, $0x1;
	s7 =	sadd.s32 s8, s19  }
0xa0: {  	s11 =	simm.s32 $0x0;
	s20 =	sshll.u32 s9, $0x1;
	s9 =	sadd.s32 s21, s7  }
0xa1: {  	[timem:s11], [sflag:s22] =	dma.local [hbm:s9], s20  }
0xa2: {  	_ =	swait.ge [sflag:s22], s20  }
0xa3: {  	s8 =	ssub.s32 $0x0, s20;
	[sflag:s22] =	ssyncset.done $0x0  }
0xa4: {  	[sflag:s22] =	ssyncadd.s32 s8;
	_ =	sdelay $0x1  }
0xa5: {  	s23 =	simm.s32 $0x1B8B  }
0xa6: {  	_ =	swait.ge [sflag:s23], $0x1  }
0xa7: {  	[sflag:s23] =	ssyncset.done $0x0  }
0xa8: {  	s25 =	simm.s32 $0x1B8E;
	s24 =	sld [smem:$0x3FFE];
	[sflag:s23] =	ssyncadd.s32 $0xFFFFFFFF  }
0xa9: {  	s26 =	simm.s32 $execute0_lowered;
	[smem:$0x3FD2] =	sst s25  }
0xaa: {  	s9 =	sshll.u32 s26, $0x1;
	_ =	strace $0x80000046;
	[dreg:$0x1] =	wrdreg $0xFFFFFFFF  }
0xab: {  	s28 =	simm.s32 $_size_execute0_lowered;
	s7 =	sadd.s32 s7, s9;
	[dreg:$0x0] =	wrdreg $0x0  }
0xac: {  	s9 =	sshll.u32 s28, $0x1;
	[dreg:$0x2] =	wrdreg s7  }
0xad: {  	[dreg:$0x3] =	wrdreg s9  }
0xae: {  	[dreg:$0x4] =	wrdreg $0xC0  }
0xaf: {  	_ =	task [dreg:s11], $0x5FFFF  }
0xb0: {  	[dreg:$0x1] =	wrdreg $0xFFFFFFFF  }
0xb1: {  	[dreg:$0x0] =	wrdreg $0x60  }
0xb2: {  	[dreg:$0x2] =	wrdreg s24  }
0xb3: {  	[dreg:$0x3] =	wrdreg s2  }
0xb4: {  	[dreg:$0x4] =	wrdreg s18  }
0xb5: {  	[dreg:$0x5] =	wrdreg s4  }
0xb6: {  	[dreg:$0x6] =	wrdreg s5  }
0xb7: {  	[dreg:$0x7] =	wrdreg s6  }
0xb8: {  	[dreg:$0x8] =	wrdreg $0x9  }
0xb9: {  	_ =	task.clear_ibuf [dreg:s11], $0x9FFFF;
	_ =	strace $0x90000046  }
0xba: {  	s29 =	simm.s32 $0x9;
	_ =	strace $0x80000048  }
0xbb: {  	_ =	swait.ge [sflag:s29], $0x1  }
0xbc: {  	[sflag:s29] =	ssyncadd.s32 $0xFFFFFFFF  }
0xbd: {  	_ =	strace $0x90000048  }
0xbe: {  	_ =	sfence  }
0xbf: {  	s30 =	sld [smem:$0x0];
	_ =	sdelay $0x2  }
0xc0: {  	s31 =	sshll.u32 s1, $0xD;
	s1 =	sshrl.u32 s1, $0x2  }
0xc1: {  	s3 =	sand.u32 $0x4000, s31;
	s1 =	sadd.s32 s1, s30  }
0xc2: {  	s0 =	sor.u32 s3, s0;
	s1 =	sshll.u32 s1, $0x11  }
0xc3: {  	s0 =	sor.u32 s1, s0  }
0xc4: {  	s0 =	sadd.s32 $0x8F2B, s0  }
0xc5: {  	[sflag:s0] =	ssyncadd.remote.s32 $0x1  }
0xc6: {  	_ =	sfence.sel $0xFFFF  }
0xc7: {  	[dreg:$0x0] =	wrdreg $0xFFFFFFFF;
	(pc) =	sbr.abs _section_cstart, $3  }
0xc8: {  	[dreg:$0x1] =	wrdreg $0xFFFFFFFF  }
0xc9: {  	_ =	task.clear_ibuf [dreg:s11], $0x2FFFF;
	_ =	strace $0x9FFFFFFF  }
0xca: {  	(tm) =	ssettm $0x7FFFFFFF  }
0xcb: {  	_ =	shalt  }
tec
execute0_lowered:
.L_overlay_start_1:
0x0: {  	(tag) =	ssettag $0x1  }
0x1: {  	s8 =	rddreg [dreg:$0x0]  }
0x2: {  	s0 =	rddreg [dreg:$0x1]  }
0x3: {  	s1 =	rddreg [dreg:$0x2]  }
0x4: {  	v0 =	vimm.s32 $0xFEDCBA98;
	s2 =	rddreg [dreg:$0x3];
	v1 =	vimm.s32 $0x76543210  }
0x5: {  	s3 =	rddreg [dreg:$0x4];
	v2 =	vimm.s32 $0xBA98FEDC;
	v3 =	vimm.s32 $0x32107654;
	v4 =	vimm.s32 $0xDCFE98BA  }
0x6: {  	s4 =	rddreg [dreg:$0x5];
	v5 =	vimm.s32 $0x54761032;
	v6 =	vimm.s32 $0xEFCDAB89;
	v7 =	vimm.s32 $0x67452301  }
0x7: {  	s5 =	simm.s32 $0x0;
	s6 =	srdreg.scid;
	s7 =	stileid.u32;
	v0 =	vunpack.c.l.s4.s8 v0;
	v1 =	vunpack.c.l.s4.s8 v1;
	v2 =	vunpack.c.l.s4.s8 v2  }
0x8: {  	s12 =	simm.s32 $0x2;
	s13 =	simm.s32 $0xC900;
	s14 =	simm.s32 $0xC980;
	v3 =	vunpack.c.l.s4.s8 v3;
	v4 =	vunpack.c.l.s4.s8 v4;
	v5 =	vunpack.c.l.s4.s8 v5  }
0x9: {  	s15 =	simm.s32 $0x80;
	s16 =	simm.s32 $0x400;
	s17 =	simm.s32 $0x68;
	v6 =	vunpack.c.l.s4.s8 v6;
	v7 =	vunpack.c.l.s4.s8 v7;
	v0 =	vunpack.c.0.s8.s32 v0  }
0xa: {  	s18 =	simm.s32 $0x100;
	s19 =	simm.s32 $0x60;
	s20 =	simm.s32 $0x3500;
	v2 =	vunpack.c.0.s8.s32 v2;
	v3 =	vunpack.c.0.s8.s32 v3;
	v4 =	vunpack.c.0.s8.s32 v4  }
0xb: {  	s21 =	simm.s32 $0x1;
	[smem:$0x7FF] =	sst s5;
	s9 =	sand.u32 $0x1, s6;
	v5 =	vunpack.c.0.s8.s32 v5;
	v6 =	vunpack.c.0.s8.s32 v6;
	v7 =	vunpack.c.0.s8.s32 v7  }
0xc: {  	s22 =	simm.s32 $0x0;
	s6 =	rddreg [dreg:$0x6];
	s10 =	ssub.s32 $0x2, s9;
	v1 =	vunpack.c.0.s8.s32 v1;
	v2 =	vcombine.low v3, v2  }
0xd: {  	s31 =	sshll.u32 s7, $0x6;
	s8 =	sadd.s32 $0x400, s8;
	s11 =	sshrl.u32 s10, $0x1;
	v3 =	vcombine.low v5, v4;
	v4 =	vcombine.low v7, v6;
	v0 =	vand.u32 $0xF, v0  }
0xe: {  	_ =	strace $0x80000047;
	s9 =	sshll.u32 s9, $0x5;
	s10 =	ssub.s32 s10, s11;
	v0 =	vcombine.low v0, v1  }
0xf: {  	s9 =	sor.u32 s9, s31;
	s11 =	simm.s32 $0x6500;
	s10 =	smax.u32 s10, $0x1;
	v1 =	vand.u32 $0xF, v2;
	v2 =	vand.u32 $0xF, v3;
	v3 =	vand.u32 $0xF, v4  }
.LBB2_1:
0x10: {  	[tilespmem:s11], [sflag:$0x2] =	stream.linear.gather [hbm4b:s1+s5], $0x6400, $0x38;
	[tilespmem:$0xCA00] =	vst v63  }
0x11: {  	_ =	swait.ge [sflag:s12], $0x6400  }
0x12: {  	[sflag:s12] =	ssyncset.done $0x0  }
0x13: {  	[sflag:s12] =	ssyncadd.s32 $0xFFFF9C00  }
0x14: {  	[tilespmem:s13], [sflag:$0x2] =	stream.linear.gather [hbm4b:s2+s5], $0x80, $0x38;
	[tilespmem:$0xCA00] =	vst v63  }
0x15: {  	_ =	swait.ge [sflag:s12], $0x80  }
0x16: {  	[sflag:s12] =	ssyncset.done $0x0  }
0x17: {  	[sflag:s12] =	ssyncadd.s32 $0xFFFFFF80  }
0x18: {  	[tilespmem:s14], [sflag:$0x2] =	stream.linear.gather [hbm4b:s3+s5], $0x80, $0x38;
	[tilespmem:$0xCA00] =	vst v63  }
0x19: {  	_ =	swait.ge [sflag:s12], $0x80  }
0x1a: {  	[sflag:s12] =	ssyncset.done $0x0  }
0x1b: {  	[sflag:s12] =	ssyncadd.s32 $0xFFFFFF80  }
0x1c: {  	v4 =	vld [tilespmem:$0xC900]  }
0x1d: {  	v5 =	vld [tilespmem:$0xC910]  }
0x1e: {  	v6 =	vld [tilespmem:$0xC920]  }
0x1f: {  	v7 =	vld [tilespmem:$0xC930]  }
0x20: {  	v8 =	vld [tilespmem:$0xC940]  }
0x21: {  	v9 =	vld [tilespmem:$0xC950]  }
0x22: {  	v10 =	vld [tilespmem:$0xC960]  }
0x23: {  	v11 =	vld [tilespmem:$0xC970]  }
0x24: {  	v12 =	vld [tilespmem:$0xC980]  }
0x25: {  	v13 =	vld [tilespmem:$0xC990]  }
0x26: {  	v14 =	vld [tilespmem:$0xC9A0]  }
0x27: {  	v15 =	vld [tilespmem:$0xC9B0]  }
0x28: {  	v16 =	vld [tilespmem:$0xC9C0]  }
0x29: {  	v17 =	vld [tilespmem:$0xC9D0]  }
0x2a: {  	v18 =	vld [tilespmem:$0xC9E0]  }
0x2b: {  	s23 =	simm.s32 $0x0;
	v19 =	vld [tilespmem:$0xC9F0]  }
.LBB2_2:
0x2c: {  	s24 =	sadd.s32 s9, s23;
	s25 =	sshll.u32 s23, $0x4  }
0x2d: {  	s26 =	sshll.u32 s24, $0x5;
	s25 =	sand.u32 $0x70, s25  }
0x2e: {  	s26 =	sand.u32 $0x7F00, s26;
	s25 =	sadd.s32 s8, s25  }
0x2f: {  	s31 =	simm.s32 $0x0;
	s25 =	sadd.s32 s26, s25  }
0x30: {  	[tilespmem:s31], [sflag:$0x2] =	stream.strided.gather [hbm4b:s25+s15], $0x100, s16, s15, $0x38;
	[tilespmem:$0xCA00] =	vst v63  }
0x31: {  	_ =	swait.ge [sflag:s12], $0x100  }
0x32: {  	[sflag:s12] =	ssyncset.done $0x0  }
0x33: {  	[sflag:s12] =	ssyncadd.s32 $0xFFFFFF00  }
0x34: {  	[tilespmem:s18], [sflag:$0x1] =	stream.indirect.gather [hbm4b:s0+s17], $0x80, s31, s17, $0xb8;
	[tilespmem:$0xCA00] =	vst v63  }
0x35: {  	_ = 	snop  }
0x36: {  	[tilespmem:s20], [sflag:$0x1] =	stream.indirect.gather [hbm4b:s0+s19], $0x80, s17, s19, $0xb8;
	[tilespmem:$0xCA00] =	vst v63  }
0x37: {  	_ =	swait.ge [sflag:s21], $0x3400  }
0x38: {  	[sflag:s21] =	ssyncset.done $0x0  }
0x39: {  	[sflag:s21] =	ssyncadd.s32 $0xFFFFCC00  }
0x3a: {  	_ =	swait.ge [sflag:s21], $0x3000  }
0x3b: {  	[sflag:s21] =	ssyncset.done $0x0  }
0x3c: {  	s25 =	simm.s32 $0x0;
	[sflag:s21] =	ssyncadd.s32 $0xFFFFD000  }
0x3d: {  	v20 =	vld [tilespmem:s25+$0x6570]  }
0x3e: {  	v21 =	vld [tilespmem:s25+$0x6510]  }
0x3f: {  	v22 =	vld [tilespmem:s25+$0x6530]  }
0x40: {  	v23 =	vld [tilespmem:s25+$0x6550]  }
0x41: {  	v24 =	vld [tilespmem:s25+$0x6500]  }
0x42: {  	v25 =	vld [tilespmem:s25+$0x6520]  }
0x43: {  	v26 =	vld [tilespmem:s25+$0x6560]  }
0x44: {  	v27 =	vld [tilespmem:s25+$0x110]  }
0x45: {  	v28 =	vld [tilespmem:s25+$0x120]  }
0x46: {  	v29 =	vld [tilespmem:s25+$0x170]  }
0x47: {  	v30 =	vld [tilespmem:s25+$0x160]  }
0x48: {  	v31 =	vld [tilespmem:s25+$0x100]  }
0x49: {  	v32 =	vld [tilespmem:s25+$0x150]  }
0x4a: {  	v33 =	vld [tilespmem:s25+$0x130]  }
0x4b: {  	v34 =	vld [tilespmem:s25+$0x140]  }
0x4c: {  	v20 =	vadd.f32 v20, v29;
	v29 =	vld [tilespmem:s25+$0x6540];
	v30 =	vadd.f32 v26, v30  }
0x4d: {  	v21 =	vadd.f32 v21, v27;
	v26 =	vadd.f32 v25, v28  }
0x4e: {  	v31 =	vadd.f32 v24, v31;
	v32 =	vadd.f32 v23, v32;
	v25 =	vmul.f32 v20, v20  }
0x4f: {  	v33 =	vadd.f32 v22, v33;
	v23 =	vmul.f32 v30, v30;
	v22 =	vmul.f32 v21, v21  }
0x50: {  	v24 =	vadd.f32 v21, v31;
	v27 =	vadd.f32 v20, v30;
	v28 =	vmul.f32 v31, v31  }
0x51: {  	v35 =	vmul.f32 v26, v26;
	v36 =	vmul.f32 v32, v32;
	v34 =	vadd.f32 v29, v34  }
0x52: {  	v37 =	vmul.f32 v33, v33;
	v22 =	vadd.f32 v22, v28;
	v29 =	vadd.f32 v33, v26  }
0x53: {  	v23 =	vadd.f32 v25, v23;
	v25 =	vadd.f32 v32, v34;
	v28 =	vmul.f32 v34, v34  }
0x54: {  	v24 =	vadd.f32 v29, v24;
	v29 =	vadd.f32 v37, v35  }
0x55: {  	v25 =	vadd.f32 v27, v25;
	v27 =	vadd.f32 v36, v28  }
0x56: {  	v22 =	vadd.f32 v29, v22  }
0x57: {  	v24 =	vadd.f32 v25, v24;
	v23 =	vadd.f32 v23, v27;
	_ =	sdelay $0x1  }
0x58: {  	v25 =	vperm.xlane v24, v0;
	v22 =	vadd.f32 v23, v22;
	_ =	sdelay $0x1  }
0x59: {  	v23 =	vadd.f32 v24, v25;
	v24 =	vperm.xlane v22, v0;
	_ =	sdelay $0x1  }
0x5a: {  	v25 =	vperm.xlane v23, v1;
	v22 =	vadd.f32 v24, v22;
	_ =	sdelay $0x1  }
0x5b: {  	v23 =	vadd.f32 v23, v25;
	v24 =	vperm.xlane v22, v1;
	_ =	sdelay $0x1  }
0x5c: {  	v25 =	vperm.xlane v23, v2;
	v22 =	vadd.f32 v24, v22;
	_ =	sdelay $0x1  }
0x5d: {  	v23 =	vadd.f32 v23, v25;
	v24 =	vperm.xlane v22, v2;
	_ =	sdelay $0x1  }
0x5e: {  	v25 =	vperm.xlane v23, v3;
	v22 =	vadd.f32 v24, v22;
	_ =	sdelay $0x1  }
0x5f: {  	v23 =	vadd.f32 v23, v25;
	v24 =	vperm.xlane v22, v3;
	_ =	sdelay $0x1  }
0x60: {  	v22 =	vadd.f32 v24, v22;
	v63 =	vmul.f32 $7.812500000e-03, v23;
	_ =	sdelay $0x1  }
0x61: {  	v22 =	vmul.f32 $7.812500000e-03, v22;
	v23 =	vmul.f32 v63, v63;
	_ =	sdelay $0x1  }
0x62: {  	v22 =	vsub.f32 v22, v23;
	_ =	sdelay $0x1  }
0x63: {  	v22 =	vadd.f32 $9.999999960e-13, v22;
	_ =	sdelay $0x1  }
0x64: {  	v23 =	vshra.s32 v22, $0x1;
	v28 =	vmul.f32 $5.000000000e-01, v22  }
0x65: {  	v25 =	vsub.f32 v21, v63;
	v26 =	vsub.f32 v26, v63;
	v29 =	vsub.s32 $0x5F3759DF, v23  }
0x66: {  	v24 =	vsub.f32 v30, v63;
	v27 =	vsub.f32 v20, v63;
	v30 =	vmul.f32 v29, v28  }
0x67: {  	v21 =	vsub.f32 v33, v63;
	v20 =	vsub.f32 v34, v63  }
0x68: {  	s26 =	simm.s32 $0x200;
	v22 =	vsub.f32 v32, v63;
	v23 =	vsub.f32 v31, v63;
	v30 =	vmul.f32 v29, v30  }
.LBB2_3:
0x69: {  	p0 =	sne.s32 s26, $0x18E00;
	s28 =	smov.u32 s26;
	s26 =	sadd.s32 $0x200, s26  }
0x6a: {  	v30 =	vsub.f32 $1.500000000e+00, v30;
	_ =	sdelay $0x1  }
0x6b: {  	v29 =	vmul.f32 v29, v30;
	_ =	sdelay $0x1  }
0x6c: {  	v30 =	vmul.f32 v29, v28;
	_ =	sdelay $0x1  }
0x6d: {  	v30 =	vmul.f32 v30, v29  }
0x6e: {  	s28 =	sshra.s32 s28, $0x2  }
0x6f: {  	v31 =	vld [tilespmem:s28+$0x6570];
	v30 =	vsub.f32 $1.500000000e+00, v30  }
0x70: {  	v32 =	vld [tilespmem:s28+$0x6510]  }
0x71: {  	v33 =	vld [tilespmem:s28+$0x6530];
	v29 =	vmul.f32 v30, v29;
	_ =	sdelay $0x1  }
0x72: {  	v28 =	vmul.f32 v29, v28;
	_ =	sdelay $0x1  }
0x73: {  	v28 =	vmul.f32 v28, v29;
	_ =	sdelay $0x1  }
0x74: {  	v28 =	vsub.f32 $1.500000000e+00, v28;
	_ =	sdelay $0x1  }
0x75: {  	v28 =	vmul.f32 v28, v29;
	_ =	sdelay $0x1  }
0x76: {  	v25 =	vmul.f32 v28, v25;
	v26 =	vmul.f32 v28, v26  }
0x77: {  	v24 =	vmul.f32 v28, v24;
	v27 =	vmul.f32 v28, v27  }
0x78: {  	v25 =	vmul.f32 v25, v5;
	v26 =	vmul.f32 v26, v6  }
0x79: {  	v24 =	vmul.f32 v24, v10;
	v27 =	vmul.f32 v27, v11;
	v29 =	vld [tilespmem:s28+$0x6550]  }
0x7a: {  	v23 =	vmul.f32 v28, v23;
	v30 =	vld [tilespmem:s28+$0x6500];
	v25 =	vadd.f32 v25, v13;
	v26 =	vadd.f32 v26, v14  }
0x7b: {  	v22 =	vmul.f32 v28, v22;
	v24 =	vadd.f32 v24, v18;
	v27 =	vadd.f32 v27, v19;
	v34 =	vld [tilespmem:s28+$0x6520]  }
0x7c: {  	v21 =	vmul.f32 v28, v21;
	v23 =	vmul.f32 v23, v4;
	v35 =	vld [tilespmem:s28+$0x6560];
	[tilespmem:s25+$0x110] =	vst v25  }
0x7d: {  	v20 =	vmul.f32 v28, v20;
	v22 =	vmul.f32 v22, v9;
	v25 =	vld [tilespmem:s28+$0x110];
	[tilespmem:s25+$0x120] =	vst v26  }
0x7e: {  	v21 =	vmul.f32 v21, v7;
	v23 =	vadd.f32 v23, v12;
	v26 =	vld [tilespmem:s28+$0x120];
	[tilespmem:s25+$0x170] =	vst v27  }
0x7f: {  	v20 =	vmul.f32 v20, v8;
	v22 =	vadd.f32 v22, v17;
	v27 =	vld [tilespmem:s28+$0x170];
	[tilespmem:s25+$0x160] =	vst v24  }
0x80: {  	v21 =	vadd.f32 v21, v15;
	v24 =	vld [tilespmem:s28+$0x160];
	[tilespmem:s25+$0x100] =	vst v23  }
0x81: {  	v20 =	vadd.f32 v20, v16;
	v23 =	vld [tilespmem:s28+$0x100];
	[tilespmem:s25+$0x150] =	vst v22  }
0x82: {  	v22 =	vld [tilespmem:s28+$0x150];
	[tilespmem:s25+$0x130] =	vst v21  }
0x83: {  	v21 =	vld [tilespmem:s28+$0x130];
	[tilespmem:s25+$0x140] =	vst v20;
	s25 =	smov.u32 s28  }
0x84: {  	v20 =	vld [tilespmem:s25+$0x140];
	v27 =	vadd.f32 v31, v27  }
0x85: {  	v28 =	vld [tilespmem:s25+$0x6540];
	v24 =	vadd.f32 v35, v24  }
0x86: {  	v25 =	vadd.f32 v32, v25;
	v26 =	vadd.f32 v34, v26;
	v31 =	vmul.f32 v27, v27  }
0x87: {  	v23 =	vadd.f32 v30, v23;
	v22 =	vadd.f32 v29, v22;
	v29 =	vmul.f32 v24, v24  }
0x88: {  	v32 =	vmul.f32 v26, v26;
	v30 =	vmul.f32 v25, v25;
	v21 =	vadd.f32 v33, v21  }
0x89: {  	v34 =	vadd.f32 v27, v24;
	v33 =	vadd.f32 v25, v23;
	v35 =	vmul.f32 v23, v23  }
0x8a: {  	v36 =	vmul.f32 v22, v22;
	v20 =	vadd.f32 v28, v20;
	v28 =	vadd.f32 v21, v26  }
0x8b: {  	v29 =	vadd.f32 v31, v29;
	v37 =	vmul.f32 v21, v21;
	v30 =	vadd.f32 v30, v35  }
0x8c: {  	v31 =	vadd.f32 v22, v20;
	v28 =	vadd.f32 v28, v33;
	v33 =	vmul.f32 v20, v20  }
0x8d: {  	v32 =	vadd.f32 v37, v32  }
0x8e: {  	v31 =	vadd.f32 v34, v31;
	v33 =	vadd.f32 v36, v33  }
0x8f: {  	v30 =	vadd.f32 v32, v30  }
0x90: {  	v28 =	vadd.f32 v31, v28;
	v29 =	vadd.f32 v29, v33;
	_ =	sdelay $0x1  }
0x91: {  	v31 =	vperm.xlane v28, v0;
	v29 =	vadd.f32 v29, v30;
	_ =	sdelay $0x1  }
0x92: {  	v28 =	vadd.f32 v28, v31;
	v30 =	vperm.xlane v29, v0;
	_ =	sdelay $0x1  }
0x93: {  	v31 =	vperm.xlane v28, v1;
	v29 =	vadd.f32 v30, v29;
	_ =	sdelay $0x1  }
0x94: {  	v28 =	vadd.f32 v28, v31;
	v30 =	vperm.xlane v29, v1;
	_ =	sdelay $0x1  }
0x95: {  	v31 =	vperm.xlane v28, v2;
	v29 =	vadd.f32 v30, v29;
	_ =	sdelay $0x1  }
0x96: {  	v28 =	vadd.f32 v28, v31;
	v30 =	vperm.xlane v29, v2;
	_ =	sdelay $0x1  }
0x97: {  	v31 =	vperm.xlane v28, v3;
	v29 =	vadd.f32 v30, v29;
	_ =	sdelay $0x1  }
0x98: {  	v28 =	vadd.f32 v28, v31;
	v30 =	vperm.xlane v29, v3;
	_ =	sdelay $0x1  }
0x99: {  	v29 =	vadd.f32 v30, v29;
	v28 =	vmul.f32 $7.812500000e-03, v28;
	_ =	sdelay $0x1  }
0x9a: {  	v29 =	vmul.f32 $7.812500000e-03, v29;
	v30 =	vmul.f32 v28, v28;
	v25 =	vsub.f32 v25, v28  }
0x9b: {  	v26 =	vsub.f32 v26, v28;
	v24 =	vsub.f32 v24, v28  }
0x9c: {  	v27 =	vsub.f32 v27, v28;
	v29 =	vsub.f32 v29, v30  }
0x9d: {  	v23 =	vsub.f32 v23, v28;
	v22 =	vsub.f32 v22, v28  }
0x9e: {  	v21 =	vsub.f32 v21, v28;
	v29 =	vadd.f32 $9.999999960e-13, v29  }
0x9f: {  	v20 =	vsub.f32 v20, v28  }
.Ltmp0:
0xa0: {  	v30 =	vshra.s32 v29, $0x1;
	v28 =	vmul.f32 $5.000000000e-01, v29;
	(pc) =	sbr.rel @p0 .LBB2_3-.Ltmp0, $3  }
0xa1: {  	v29 =	vsub.s32 $0x5F3759DF, v30  }
0xa2: {  	v30 =	vmul.f32 v29, v28;
	_ =	sdelay $0x1  }
0xa3: {  	v30 =	vmul.f32 v29, v30  }
0xa4: {  	_ = 	snop  }
0xa5: {  	v30 =	vsub.f32 $1.500000000e+00, v30;
	_ =	sdelay $0x1  }
0xa6: {  	v29 =	vmul.f32 v29, v30;
	_ =	sdelay $0x1  }
0xa7: {  	v30 =	vmul.f32 v29, v28;
	_ =	sdelay $0x1  }
0xa8: {  	v30 =	vmul.f32 v30, v29;
	_ =	sdelay $0x1  }
0xa9: {  	v30 =	vsub.f32 $1.500000000e+00, v30;
	_ =	sdelay $0x1  }
0xaa: {  	v29 =	vmul.f32 v30, v29;
	_ =	sdelay $0x1  }
0xab: {  	v63 =	vmul.f32 v29, v28;
	_ =	sdelay $0x1  }
0xac: {  	v28 =	vmul.f32 v63, v29;
	_ =	sdelay $0x1  }
0xad: {  	v28 =	vsub.f32 $1.500000000e+00, v28;
	_ =	sdelay $0x1  }
0xae: {  	v28 =	vmul.f32 v28, v29;
	_ =	sdelay $0x1  }
0xaf: {  	v25 =	vmul.f32 v28, v25  }
0xb0: {  	v26 =	vmul.f32 v28, v26  }
0xb1: {  	v27 =	vmul.f32 v28, v27;
	v25 =	vmul.f32 v25, v5  }
0xb2: {  	v24 =	vmul.f32 v28, v24;
	v26 =	vmul.f32 v26, v6  }
0xb3: {  	v23 =	vmul.f32 v28, v23;
	v27 =	vmul.f32 v27, v11;
	v25 =	vadd.f32 v25, v13  }
0xb4: {  	v22 =	vmul.f32 v28, v22;
	v24 =	vmul.f32 v24, v10;
	v26 =	vadd.f32 v26, v14  }
0xb5: {  	v21 =	vmul.f32 v28, v21;
	v23 =	vmul.f32 v23, v4;
	v27 =	vadd.f32 v27, v19;
	[tilespmem:s25+$0x110] =	vst v25  }
0xb6: {  	v20 =	vmul.f32 v28, v20;
	v22 =	vmul.f32 v22, v9;
	v24 =	vadd.f32 v24, v18;
	[tilespmem:s25+$0x120] =	vst v26  }
0xb7: {  	v21 =	vmul.f32 v21, v7;
	v23 =	vadd.f32 v23, v12;
	[tilespmem:s25+$0x170] =	vst v27  }
0xb8: {  	v20 =	vmul.f32 v20, v8;
	v22 =	vadd.f32 v22, v17;
	[tilespmem:s25+$0x160] =	vst v24  }
0xb9: {  	v21 =	vadd.f32 v21, v15;
	[tilespmem:s25+$0x100] =	vst v23  }
0xba: {  	s24 =	smul.u32 $0xC80, s24;
	s23 =	sadd.s32 $0x1, s23;
	v20 =	vadd.f32 v20, v16;
	[tilespmem:s25+$0x150] =	vst v22  }
0xbb: {  	p0 =	sne.s32 s23, $0x20;
	[tilespmem:s25+$0x130] =	vst v21  }
.Ltmp1:
0xbc: {  	s24 =	sadd.s32 s4, s24;
	[tilespmem:s25+$0x140] =	vst v20;
	(pc) =	sbr.rel @p0 .LBB2_2-.Ltmp1, $4  }
0xbd: {  	[hbm4b:s24+s5] =	stream.linear.scatter [tilespmem:s18], [sflag:$0x2], $0x6400, $0x38;
	[tilespmem:$0xCA00] =	vst v63  }
0xbe: {  	_ =	swait.ge [sflag:s12], $0x6400  }
0xbf: {  	[sflag:s12] =	ssyncset.done $0x0  }
0xc0: {  	[sflag:s12] =	ssyncadd.s32 $0xFFFF9C00  }
0xc1: {  	s22 =	sadd.s32 $0x1, s22  }
0xc2: {  	p0 =	sne.s32 s22, s10  }
.Ltmp2:
0xc3: {  	_ = 	snop;
	(pc) =	sbr.rel @p0 .LBB2_1-.Ltmp2, $1  }
0xc4: {  	_ =	sdelay $0x3  }
0xc5: {  	_ =	sfence.sel $0x180000  }
0xc6: {  	[bflag:$0x0] =	sbarrier.arrive $0xFFFF  }
0xc7: {  	p0 =	sne.s32 s7, $0x0;
	_ =	strace $0x90000047  }
0xc8: {  	s0 =	sadd.s32 @!p0 $0x100000, s6;
	[bflag:$0x2] =	sbarrier.arrive $0xFFFF  }
0xc9: {  	[sflag:s0] =	ssyncadd.tile.s32 @!p0 $0x1;
	_ =	shalt  }
.Lfunc_end2:
_tile_overlayer_lowered:
.L_overlay_start_2:
0xca: {  	(tag) =	ssettag $0x2  }
0xcb: {  	s0 =	rddreg [dreg:$0x0];
	s2 =	stileid.u32  }
0xcc: {  	s1 =	rddreg [dreg:$0x1];
	p0 =	sne.s32 s2, $0x0  }
0xcd: {  	s3 =	rddreg [dreg:$0x2];
	[bflag:$0x3] =	sbarrier.arrive $0xFFFF;
	s2 =	simm.s32 @!p0 $0x1C02  }
0xce: {  	[timem:s3], [sflag:s2] =	dma.local @!p0 [hbm:s0], s1  }
0xcf: {  	s0 =	simm.s32 @!p0 $0x2  }
0xd0: {  	_ =	swait.ge @!p0 [sflag:s0], s1  }
0xd1: {  	s1 =	ssub.s32 @!p0 $0x0, s1;
	[sflag:s0] =	ssyncset.done @!p0 $0x0  }
0xd2: {  	[sflag:s0] =	ssyncadd.s32 @!p0 s1  }
0xd3: {  	[bflag:$0x3] =	sbarrier.arrive $0xFFFF  }
0xd4: {  	_ =	shalt  }

</sc_bundles>
